<compile_context>
chip_gen: v7x
topology: tpu7x:2x2x1
jax: 0.10.2.dev20260603
libtpu: 0.0.44.dev20260713+nightly
codegen_flags: <defaults>
</compile_context>

<pallas_src>
import functools

import jax
import jax.numpy as jnp
from jax import lax
from jax.experimental import pallas as pl
from jax.experimental.pallas import tpu as pltpu
from jax.experimental.pallas import tpu_sc as plsc

F32 = jnp.float32
INV_SQRT_2 = 0.7071067811865476

N_ATOMS = 10000
N_EDGES = 320000
N_TRIP = 500000

N_AT_PAD = 10240
EDGE_BLK = 2000
TRIP_BLK = 2000
ATOM_BLK = 1280

NW = 32
SEG_CHUNK = 80
SEG_SLOTS = 4
SEG_NCHUNK = (N_EDGES // NW) // SEG_CHUNK
SEG_GROUPS = SEG_NCHUNK // SEG_SLOTS
TRIP_CHUNK = 248
TRIP_SLOTS = 4
TRIP_PAD = 507904
TRIP_NCHUNK = (TRIP_PAD // NW) // TRIP_CHUNK
TRIP_GROUPS = TRIP_NCHUNK // TRIP_SLOTS


def _silu(x):
    return x / (1.0 + jnp.exp(-x))


def _res(x, W1, W2):
    h = _silu(jnp.dot(x, W1, preferred_element_type=F32))
    h = _silu(jnp.dot(h, W2, preferred_element_type=F32))
    return (x + h) * INV_SQRT_2


def _edge_x_body(m_ref, rbf_ref, W_rbf_ref, x_ref):
    x_ref[...] = m_ref[...] * jnp.dot(rbf_ref[...], W_rbf_ref[...],
                                      preferred_element_type=F32)


def _edge_x_stage(m, rbf, W_rbf):
    grid = N_EDGES // EDGE_BLK
    full = lambda w: pl.BlockSpec(w.shape, lambda i: (0,) * w.ndim)
    return pl.pallas_call(
        _edge_x_body,
        grid=(grid,),
        in_specs=[
            pl.BlockSpec((EDGE_BLK, 128), lambda i: (i, 0)),
            pl.BlockSpec((EDGE_BLK, 16), lambda i: (i, 0)),
            full(W_rbf),
        ],
        out_specs=[pl.BlockSpec((EDGE_BLK, 128), lambda i: (i, 0))],
        out_shape=[jax.ShapeDtypeStruct((N_EDGES, 128), F32)],
    )(m, rbf, W_rbf)[0]


def _edge_pq_body(m_ref, rbf_ref, Wab_ref, Wcd_ref, PQ_ref):
    PQ_ref[...] = (jnp.dot(m_ref[...], Wab_ref[...],
                           preferred_element_type=F32)
                   + jnp.dot(rbf_ref[...], Wcd_ref[...],
                             preferred_element_type=F32))


def _edge_pq_stage(m, rbf, Wab, Wcd):
    grid = N_EDGES // EDGE_BLK
    full = lambda w: pl.BlockSpec(w.shape, lambda i: (0,) * w.ndim)
    return pl.pallas_call(
        _edge_pq_body,
        grid=(grid,),
        in_specs=[
            pl.BlockSpec((EDGE_BLK, 128), lambda i: (i, 0)),
            pl.BlockSpec((EDGE_BLK, 16), lambda i: (i, 0)),
            full(Wab), full(Wcd),
        ],
        out_specs=[pl.BlockSpec((EDGE_BLK, 128), lambda i: (i, 0))],
        out_shape=[jax.ShapeDtypeStruct((N_EDGES, 128), F32)],
    )(m, rbf, Wab, Wcd)[0]


def _force_body(m_ref, rbf_ref, W_f0_ref, Wf01_ref, Wf02_ref, Wf11_ref,
                Wf12_ref, W_rbf_F_ref, W_out_F_ref, F_ref):
    m = m_ref[...]
    rbf = rbf_ref[...]
    xF = _silu(jnp.dot(m, W_f0_ref[...], preferred_element_type=F32))
    xF = _res(xF, Wf01_ref[...], Wf02_ref[...])
    xF = _res(xF, Wf11_ref[...], Wf12_ref[...])
    xF = xF * jnp.dot(rbf, W_rbf_F_ref[...], preferred_element_type=F32)
    F_ref[...] = jnp.dot(xF, W_out_F_ref[...], preferred_element_type=F32)


def _force_stage(m, rbf, W_f0, Wf01, Wf02, Wf11, Wf12, W_rbf_F, W_out_F):
    grid = N_EDGES // EDGE_BLK
    full = lambda w: pl.BlockSpec(w.shape, lambda i: (0,) * w.ndim)
    return pl.pallas_call(
        _force_body,
        grid=(grid,),
        in_specs=[
            pl.BlockSpec((EDGE_BLK, 128), lambda i: (i, 0)),
            pl.BlockSpec((EDGE_BLK, 16), lambda i: (i, 0)),
            full(W_f0), full(Wf01), full(Wf02), full(Wf11), full(Wf12),
            full(W_rbf_F), full(W_out_F),
        ],
        out_specs=[pl.BlockSpec((EDGE_BLK, 1), lambda i: (i, 0))],
        out_shape=[jax.ShapeDtypeStruct((N_EDGES, 1), F32)],
    )(m, rbf, W_f0, Wf01, Wf02, Wf11, Wf12, W_rbf_F, W_out_F)[0]


def _seg_sum_body(x_hbm, idj_hbm, out_hbm, *sc):
    idx = sc[0:SEG_SLOTS]
    rows = sc[SEG_SLOTS:2 * SEG_SLOTS]
    acc_sh = sc[2 * SEG_SLOTS]
    sem = sc[2 * SEG_SLOTS + 1:2 * SEG_SLOTS + 1 + SEG_SLOTS]
    c = lax.axis_index("c")
    s = lax.axis_index("s")
    wid = s * 2 + c
    def zrow(i, _):
        def zcol(j, _):
            rows[0][i, pl.ds(j * 16, 16)] = jnp.zeros((16,), F32)
            return 0
        return lax.fori_loop(0, 8, zcol, 0)
    lax.fori_loop(0, SEG_CHUNK, zrow, 0)
    def zacc(k, _):
        pltpu.sync_copy(rows[0],
                        acc_sh.at[pl.ds(s * 640 + k * SEG_CHUNK, SEG_CHUNK)])
        return 0
    lax.fori_loop(0, 640 // SEG_CHUNK, zacc, 0)
    plsc.subcore_barrier()
    base = wid * (N_EDGES // NW)
    ns = SEG_SLOTS
    def group(g, _):
        offs = [base + (g * ns + b) * SEG_CHUNK for b in range(ns)]
        di = [pltpu.async_copy(idj_hbm.at[pl.ds(offs[b], SEG_CHUNK)], idx[b],
                               sem[b]) for b in range(ns)]
        dr = [pltpu.async_copy(x_hbm.at[pl.ds(offs[b], SEG_CHUNK)], rows[b],
                               sem[b]) for b in range(ns)]
        st = []
        for b in range(ns):
            di[b].wait()
            dr[b].wait()
            st.append(pltpu.async_copy(rows[b], acc_sh.at[idx[b]], sem[b],
                                       add=True))
        for b in range(ns):
            st[b].wait()
        return 0
    lax.fori_loop(0, SEG_GROUPS, group, 0)
    def rem(k, _):
        off = base + k * SEG_CHUNK
        pltpu.sync_copy(idj_hbm.at[pl.ds(off, SEG_CHUNK)], idx[0])
        pltpu.sync_copy(x_hbm.at[pl.ds(off, SEG_CHUNK)], rows[0])
        pltpu.sync_copy(rows[0], acc_sh.at[idx[0]], add=True)
        return 0
    lax.fori_loop(SEG_GROUPS * ns, SEG_NCHUNK, rem, 0)
    plsc.subcore_barrier()
    pltpu.sync_copy(acc_sh.at[pl.ds(s * 640, 640)],
                    out_hbm.at[c].at[pl.ds(s * 640, 640)])


def _trip_gather_body(tbl_hbm, i_hbm, j_hbm, out_hbm, *sc):
    ii = sc[0:TRIP_SLOTS]
    jj = sc[TRIP_SLOTS:2 * TRIP_SLOTS]
    buf = sc[2 * TRIP_SLOTS:3 * TRIP_SLOTS]
    sem = sc[3 * TRIP_SLOTS:4 * TRIP_SLOTS]
    c = lax.axis_index("c")
    s = lax.axis_index("s")
    wid = s * 2 + c
    base = wid * TRIP_NCHUNK * TRIP_CHUNK
    ns = TRIP_SLOTS
    def group(g, _):
        offs = [base + (g * ns + b) * TRIP_CHUNK for b in range(ns)]
        di = [pltpu.async_copy(i_hbm.at[pl.ds(offs[b], TRIP_CHUNK)], ii[b],
                               sem[b]) for b in range(ns)]
        dj = [pltpu.async_copy(j_hbm.at[pl.ds(offs[b], TRIP_CHUNK)], jj[b],
                               sem[b]) for b in range(ns)]
        gp = []
        for b in range(ns):
            di[b].wait()
            dj[b].wait()
            gp.append(pltpu.async_copy(tbl_hbm.at[ii[b]], buf[b], sem[b]))
        gq = []
        for b in range(ns):
            gp[b].wait()
            gq.append(pltpu.async_copy(tbl_hbm.at[jj[b]], buf[b], sem[b],
                                       add=True))
        st = []
        for b in range(ns):
            gq[b].wait()
            st.append(pltpu.async_copy(buf[b],
                                       out_hbm.at[pl.ds(offs[b], TRIP_CHUNK)],
                                       sem[b]))
        for b in range(ns):
            st[b].wait()
        return 0
    lax.fori_loop(0, TRIP_GROUPS, group, 0)


@functools.lru_cache(maxsize=1)
def _sc_kernels():
    mesh = plsc.VectorSubcoreMesh(core_axis_name="c", subcore_axis_name="s")
    seg = pl.kernel(
        _seg_sum_body,
        out_type=jax.ShapeDtypeStruct((2, N_AT_PAD, 128), F32),
        mesh=mesh,
        scratch_types=(
            [pltpu.VMEM((SEG_CHUNK,), jnp.int32)] * SEG_SLOTS
            + [pltpu.VMEM((SEG_CHUNK, 128), F32)] * SEG_SLOTS
            + [pltpu.VMEM_SHARED((N_AT_PAD, 128), F32)]
            + [pltpu.SemaphoreType.DMA] * SEG_SLOTS
        ),
    )
    trip = pl.kernel(
        _trip_gather_body,
        out_type=jax.ShapeDtypeStruct((TRIP_PAD, 64), F32),
        mesh=mesh,
        compiler_params=pltpu.CompilerParams(use_tc_tiling_on_sc=False),
        scratch_types=(
            [pltpu.VMEM((TRIP_CHUNK,), jnp.int32)] * TRIP_SLOTS
            + [pltpu.VMEM((TRIP_CHUNK,), jnp.int32)] * TRIP_SLOTS
            + [pltpu.VMEM((TRIP_CHUNK, 64), F32)] * TRIP_SLOTS
            + [pltpu.SemaphoreType.DMA] * TRIP_SLOTS
        ),
    )
    return seg, trip


def _trip_body(pre_ref, cbf_ref, Wce2_ref, Ws1b_ref, Ws2b_ref, S_ref):
    t = pre_ref[...] + jnp.dot(cbf_ref[...], Wce2_ref[...],
                               preferred_element_type=F32)
    xs = _silu(t)
    xs = _silu(jnp.dot(xs, Ws1b_ref[...], preferred_element_type=F32))
    S_ref[...] = jnp.dot(xs, Ws2b_ref[...], preferred_element_type=F32)


def _block_diag2(W):
    z = jnp.zeros_like(W)
    return jnp.concatenate(
        [jnp.concatenate([W, z], axis=1), jnp.concatenate([z, W], axis=1)],
        axis=0)


def _trip_stage(pre2, cbf2, Wce2, Ws1b, Ws2b):
    half = N_TRIP // 2
    grid = half // TRIP_BLK
    full = lambda w: pl.BlockSpec(w.shape, lambda i: (0,) * w.ndim)
    return pl.pallas_call(
        _trip_body,
        grid=(grid,),
        in_specs=[
            pl.BlockSpec((TRIP_BLK, 128), lambda i: (i, 0)),
            pl.BlockSpec((TRIP_BLK, 32), lambda i: (i, 0)),
            full(Wce2), full(Ws1b), full(Ws2b),
        ],
        out_specs=[pl.BlockSpec((TRIP_BLK, 12), lambda i: (i, 0))],
        out_shape=[jax.ShapeDtypeStruct((half, 12), F32)],
    )(pre2, cbf2, Wce2, Ws1b, Ws2b)[0]


def _atom_body(a_ref, b_ref, W_e0_ref, We01_ref, We02_ref, We11_ref,
               We12_ref, W_out_E_ref, E_ref):
    xE = a_ref[...] + b_ref[...]
    xE = _silu(jnp.dot(xE, W_e0_ref[...], preferred_element_type=F32))
    xE = _res(xE, We01_ref[...], We02_ref[...])
    xE = _res(xE, We11_ref[...], We12_ref[...])
    E_ref[...] = jnp.dot(xE, W_out_E_ref[...], preferred_element_type=F32)


def _atom_stage(xa, xb, W_e0, We01, We02, We11, We12, W_out_E):
    grid = N_AT_PAD // ATOM_BLK
    full = lambda w: pl.BlockSpec(w.shape, lambda i: (0,) * w.ndim)
    return pl.pallas_call(
        _atom_body,
        grid=(grid,),
        in_specs=[
            pl.BlockSpec((ATOM_BLK, 128), lambda i: (i, 0)),
            pl.BlockSpec((ATOM_BLK, 128), lambda i: (i, 0)),
            full(W_e0), full(We01), full(We02), full(We11), full(We12),
            full(W_out_E),
        ],
        out_specs=[pl.BlockSpec((ATOM_BLK, 1), lambda i: (i, 0))],
        out_shape=[jax.ShapeDtypeStruct((N_AT_PAD, 1), F32)],
    )(xa, xb, W_e0, We01, We02, We11, We12, W_out_E)[0]


def kernel(h, m, rbf, cbf, id_j, id3_i, id3_j,
           W_rbf, W_e0, We_r0_1, We_r0_2, We_r1_1, We_r1_2, W_out_E,
           W_f0, Wf_r0_1, Wf_r0_2, Wf_r1_1, Wf_r1_2, W_rbf_F, W_out_F,
           Ws0, Ws1, Ws2):
    del h
    Wab = jnp.concatenate([Ws0[0:128], Ws0[128:256]], axis=1)
    Wcd = jnp.concatenate([Ws0[256:272], Ws0[272:288]], axis=1)
    Wce = Ws0[288:304]

    seg_sum, trip_gather = _sc_kernels()

    x = _edge_x_stage(m, rbf, W_rbf)
    idj32 = id_j.astype(jnp.int32)
    xE2 = seg_sum(x, idj32)

    PQ = _edge_pq_stage(m, rbf, Wab, Wcd)
    pad = TRIP_PAD - N_TRIP
    i32 = jnp.concatenate([id3_i.astype(jnp.int32) * 2,
                           jnp.zeros((pad,), jnp.int32)])
    j32 = jnp.concatenate([id3_j.astype(jnp.int32) * 2 + 1,
                           jnp.zeros((pad,), jnp.int32)])
    pre = trip_gather(PQ.reshape(2 * N_EDGES, 64), i32, j32)

    F = _force_stage(m, rbf, W_f0, Wf_r0_1, Wf_r0_2, Wf_r1_1, Wf_r1_2,
                     W_rbf_F, W_out_F)
    pre2 = pre.reshape(TRIP_PAD // 2, 128)
    cbf2 = cbf.reshape(N_TRIP // 2, 2 * 16)
    S2 = _trip_stage(pre2, cbf2, _block_diag2(Wce), _block_diag2(Ws1),
                     _block_diag2(Ws2))
    S = S2.reshape(N_TRIP, 6)
    E_full = _atom_stage(xE2[0], xE2[1], W_e0, We_r0_1, We_r0_2,
                         We_r1_1, We_r1_2, W_out_E)
    return (E_full[:N_ATOMS], F, S)

# --- scband reference (transcript-rebuilt; emitter-appended) ---
"""Pipeline reference for scband-output-block-67783173865711 (READ-ONLY COPY).

The authoritative reference and input builder live on the scoring server;
editing this copy changes nothing except your own understanding.
"""

import jax, jax.numpy as jnp
import numpy as np

N_ATOMS = 10000
N_EDGES = 320000
N_TRIP = 500000
EA = 128   # emb_size_atom
EE = 128   # emb_size_edge
ERBF = 16  # emb_size_rbf
ECBF = 16  # emb_size_cbf
NT = 1     # num_targets
NVF = 6    # num_vector_fields
HID = 64   # dense_S hidden dim
INV_SQRT_2 = 0.7071067811865476


def _silu(x):
    return x * jax.nn.sigmoid(x)


def setup_inputs(seed: int = 0) -> dict:
    key = jax.random.key(seed)
    ks = jax.random.split(key, 32)
    inp = {}
    inp["h"] = jax.random.normal(ks[0], (N_ATOMS, EA), dtype=jnp.float32)
    inp["m"] = jax.random.normal(ks[1], (N_EDGES, EE), dtype=jnp.float32)
    inp["rbf"] = jax.random.uniform(ks[2], (N_EDGES, ERBF), dtype=jnp.float32)
    inp["cbf"] = jax.random.uniform(ks[3], (N_TRIP, ECBF), dtype=jnp.float32)
    inp["id_j"] = jax.random.randint(ks[4], (N_EDGES,), 0, N_ATOMS)
    inp["id3_i"] = jax.random.randint(ks[5], (N_TRIP,), 0, N_EDGES)
    inp["id3_j"] = jax.random.randint(ks[6], (N_TRIP,), 0, N_EDGES)

    def w(k, i, o):
        return jax.random.normal(k, (i, o), dtype=jnp.float32) * (1.0 / np.sqrt(i))

    # energy branch
    inp["W_rbf"] = w(ks[7], ERBF, EE)
    inp["W_e0"] = w(ks[8], EE, EA)
    inp["We_r0_1"] = w(ks[9], EA, EA)
    inp["We_r0_2"] = w(ks[10], EA, EA)
    inp["We_r1_1"] = w(ks[11], EA, EA)
    inp["We_r1_2"] = w(ks[12], EA, EA)
    inp["W_out_E"] = w(ks[13], EA, NT)
    # force branch
    inp["W_f0"] = w(ks[14], EE, EE)
    inp["Wf_r0_1"] = w(ks[15], EE, EE)
    inp["Wf_r0_2"] = w(ks[16], EE, EE)
    inp["Wf_r1_1"] = w(ks[17], EE, EE)
    inp["Wf_r1_2"] = w(ks[18], EE, EE)
    inp["W_rbf_F"] = w(ks[19], ERBF, EE)
    inp["W_out_F"] = w(ks[20], EE, NT)
    # stress branch (dense_S MLP)
    s_in = 2 * EE + 2 * ERBF + ECBF
    inp["Ws0"] = w(ks[21], s_in, HID)
    inp["Ws1"] = w(ks[22], HID, HID)
    inp["Ws2"] = w(ks[23], HID, NVF)
    return inp


def _res(x, W1, W2):
    # ResidualLayer with nLayers=2 dense layers (no bias) + skip, GemNet-style 1/sqrt(2) scale
    return (x + _silu(_silu(x @ W1) @ W2)) * INV_SQRT_2


def reference(h, m, rbf, cbf, id_j, id3_i, id3_j,
              W_rbf, W_e0, We_r0_1, We_r0_2, We_r1_1, We_r1_2, W_out_E,
              W_f0, Wf_r0_1, Wf_r0_2, Wf_r1_1, Wf_r1_2, W_rbf_F, W_out_F,
              Ws0, Ws1, Ws2):
    nAtoms = h.shape[0]
    # ---- energy branch ----
    rbf_emb_E = rbf @ W_rbf
    x = m * rbf_emb_E
    x_E = jax.ops.segment_sum(x, id_j, num_segments=nAtoms)
    x_E = _silu(x_E @ W_e0)
    x_E = _res(x_E, We_r0_1, We_r0_2)
    x_E = _res(x_E, We_r1_1, We_r1_2)
    E = x_E @ W_out_E
    # ---- force branch (direct_forces=True) ----
    x_F = _silu(m @ W_f0)
    x_F = _res(x_F, Wf_r0_1, Wf_r0_2)
    x_F = _res(x_F, Wf_r1_1, Wf_r1_2)
    rbf_emb_F = rbf @ W_rbf_F
    x_F = x_F * rbf_emb_F
    F = x_F @ W_out_F
    # ---- stress branch (stress=True) ----
    x_emb = jnp.concatenate(
        (jnp.take(m, id3_i, axis=0), jnp.take(m, id3_j, axis=0),
         jnp.take(rbf, id3_i, axis=0), jnp.take(rbf, id3_j, axis=0), cbf),
        axis=1)
    xs = _silu(x_emb @ Ws0)
    xs = _silu(xs @ Ws1)
    S = xs @ Ws2
    return (E, F, S)

if __name__ == "__main__":
    import jax
    _d = setup_inputs()
    print(jax.jit(kernel)(*tuple(_d.values())))

</pallas_src>

<mosaic_0001>
#map = affine_map<(d0, d1) -> (0, 0)>
#map1 = affine_map<(d0, d1) -> (0)>
module attributes {stable_mosaic.version = 14 : i64} {
  func.func @_trip_gather_body(%arg0: i32, %arg1: i32, %arg2: memref<640000x64xf32, #tpu.memory_space<hbm>>, %arg3: memref<507904xi32, #tpu.memory_space<hbm>>, %arg4: memref<507904xi32, #tpu.memory_space<hbm>>, %arg5: memref<507904x64xf32, #tpu.memory_space<hbm>>, %arg6: memref<248xi32, #tpu.memory_space<vmem>>, %arg7: memref<248xi32, #tpu.memory_space<vmem>>, %arg8: memref<248xi32, #tpu.memory_space<vmem>>, %arg9: memref<248xi32, #tpu.memory_space<vmem>>, %arg10: memref<248xi32, #tpu.memory_space<vmem>>, %arg11: memref<248xi32, #tpu.memory_space<vmem>>, %arg12: memref<248xi32, #tpu.memory_space<vmem>>, %arg13: memref<248xi32, #tpu.memory_space<vmem>>, %arg14: memref<248x64xf32, #tpu.memory_space<vmem>>, %arg15: memref<248x64xf32, #tpu.memory_space<vmem>>, %arg16: memref<248x64xf32, #tpu.memory_space<vmem>>, %arg17: memref<248x64xf32, #tpu.memory_space<vmem>>, %arg18: memref<!tpu.dma_semaphore, #tpu.memory_space<semaphore_mem>>, %arg19: memref<!tpu.dma_semaphore, #tpu.memory_space<semaphore_mem>>, %arg20: memref<!tpu.dma_semaphore, #tpu.memory_space<semaphore_mem>>, %arg21: memref<!tpu.dma_semaphore, #tpu.memory_space<semaphore_mem>>) attributes {dimension_semantics = [#tpu.dimension_semantics<core_parallel>, #tpu.dimension_semantics<subcore_parallel>], iteration_bounds = array<i64: 2, 16>, scalar_prefetch = 0 : i64, scratch_operands = 16 : i64, tpu.core_type = #tpu.core_type<sc_vector_subcore>, window_params = [{transform_indices = #map}, {transform_indices = #map1}, {transform_indices = #map1}, {transform_indices = #map}]} {
    %mul3A = arith.constant 2 : i32
    %mul3A_0 = arith.muli %arg1, %mul3A : i32
    %add3A = arith.addi %mul3A_0, %arg0 : i32
    %mul3A_1 = arith.constant 64 : i32
    %mul3A_2 = arith.muli %add3A, %mul3A_1 : i32
    %mul3A_3 = arith.constant 248 : i32
    %mul3A_4 = arith.muli %mul3A_2, %mul3A_3 : i32
    %scan3A = arith.constant 0 : i32
    %scan3A_5 = arith.constant 0 : i32
    %scan3A_6 = arith.constant 16 : i32
    %scan3A_7 = arith.addi %scan3A_5, %scan3A_6 : i32
    %scan3A_8 = arith.constant 1 : i32
    %scan3A_9 = scf.for %scan3A_11 = %scan3A_5 to %scan3A_7 step %scan3A_8 iter_args(%scan3A_12 = %scan3A) -> (i32)  : i32 {
      %mul3A_13 = arith.constant 4 : i32
      %mul3A_14 = arith.muli %scan3A_11, %mul3A_13 : i32
      %add3A_15 = arith.constant 0 : i32
      %add3A_16 = arith.addi %mul3A_14, %add3A_15 : i32
      %mul3A_17 = arith.constant 248 : i32
      %mul3A_18 = arith.muli %add3A_16, %mul3A_17 : i32
      %add3A_19 = arith.addi %mul3A_4, %mul3A_18 : i32
      %mul3A_20 = arith.constant 4 : i32
      %mul3A_21 = arith.muli %scan3A_11, %mul3A_20 : i32
      %add3A_22 = arith.constant 1 : i32
      %add3A_23 = arith.addi %mul3A_21, %add3A_22 : i32
      %mul3A_24 = arith.constant 248 : i32
      %mul3A_25 = arith.muli %add3A_23, %mul3A_24 : i32
      %add3A_26 = arith.addi %mul3A_4, %mul3A_25 : i32
      %mul3A_27 = arith.constant 4 : i32
      %mul3A_28 = arith.muli %scan3A_11, %mul3A_27 : i32
      %add3A_29 = arith.constant 2 : i32
      %add3A_30 = arith.addi %mul3A_28, %add3A_29 : i32
      %mul3A_31 = arith.constant 248 : i32
      %mul3A_32 = arith.muli %add3A_30, %mul3A_31 : i32
      %add3A_33 = arith.addi %mul3A_4, %mul3A_32 : i32
      %mul3A_34 = arith.constant 4 : i32
      %mul3A_35 = arith.muli %scan3A_11, %mul3A_34 : i32
      %add3A_36 = arith.constant 3 : i32
      %add3A_37 = arith.addi %mul3A_35, %add3A_36 : i32
      %mul3A_38 = arith.constant 248 : i32
      %mul3A_39 = arith.muli %add3A_37, %mul3A_38 : i32
      %add3A_40 = arith.addi %mul3A_4, %mul3A_39 : i32
      %dma_start3A = tpu.memref_slice %arg3[%add3A_19] : memref<507904xi32, #tpu.memory_space<hbm>> -> memref<248xi32, #tpu.memory_space<hbm>>
      %dma_start3A_41 = tpu.memref_slice %arg3[%add3A_19] : memref<507904xi32, #tpu.memory_space<hbm>> -> memref<248xi32, #tpu.memory_space<hbm>>
      tpu.enqueue_dma source(%dma_start3A_41 : memref<248xi32, #tpu.memory_space<hbm>>) target(%arg6 : memref<248xi32, #tpu.memory_space<vmem>>) target_semaphore(%arg18 : memref<!tpu.dma_semaphore, #tpu.memory_space<semaphore_mem>>)
      %dma_start3A_42 = tpu.memref_slice %arg3[%add3A_26] : memref<507904xi32, #tpu.memory_space<hbm>> -> memref<248xi32, #tpu.memory_space<hbm>>
      %dma_start3A_43 = tpu.memref_slice %arg3[%add3A_26] : memref<507904xi32, #tpu.memory_space<hbm>> -> memref<248xi32, #tpu.memory_space<hbm>>
      tpu.enqueue_dma source(%dma_start3A_43 : memref<248xi32, #tpu.memory_space<hbm>>) target(%arg7 : memref<248xi32, #tpu.memory_space<vmem>>) target_semaphore(%arg19 : memref<!tpu.dma_semaphore, #tpu.memory_space<semaphore_mem>>)
      %dma_start3A_44 = tpu.memref_slice %arg3[%add3A_33] : memref<507904xi32, #tpu.memory_space<hbm>> -> memref<248xi32, #tpu.memory_space<hbm>>
      %dma_start3A_45 = tpu.memref_slice %arg3[%add3A_33] : memref<507904xi32, #tpu.memory_space<hbm>> -> memref<248xi32, #tpu.memory_space<hbm>>
      tpu.enqueue_dma source(%dma_start3A_45 : memref<248xi32, #tpu.memory_space<hbm>>) target(%arg8 : memref<248xi32, #tpu.memory_space<vmem>>) target_semaphore(%arg20 : memref<!tpu.dma_semaphore, #tpu.memory_space<semaphore_mem>>)
      %dma_start3A_46 = tpu.memref_slice %arg3[%add3A_40] : memref<507904xi32, #tpu.memory_space<hbm>> -> memref<248xi32, #tpu.memory_space<hbm>>
      %dma_start3A_47 = tpu.memref_slice %arg3[%add3A_40] : memref<507904xi32, #tpu.memory_space<hbm>> -> memref<248xi32, #tpu.memory_space<hbm>>
      tpu.enqueue_dma source(%dma_start3A_47 : memref<248xi32, #tpu.memory_space<hbm>>) target(%arg9 : memref<248xi32, #tpu.memory_space<vmem>>) target_semaphore(%arg21 : memref<!tpu.dma_semaphore, #tpu.memory_space<semaphore_mem>>)
      %dma_start3A_48 = tpu.memref_slice %arg4[%add3A_19] : memref<507904xi32, #tpu.memory_space<hbm>> -> memref<248xi32, #tpu.memory_space<hbm>>
      %dma_start3A_49 = tpu.memref_slice %arg4[%add3A_19] : memref<507904xi32, #tpu.memory_space<hbm>> -> memref<248xi32, #tpu.memory_space<hbm>>
      tpu.enqueue_dma source(%dma_start3A_49 : memref<248xi32, #tpu.memory_space<hbm>>) target(%arg10 : memref<248xi32, #tpu.memory_space<vmem>>) target_semaphore(%arg18 : memref<!tpu.dma_semaphore, #tpu.memory_space<semaphore_mem>>)
      %dma_start3A_50 = tpu.memref_slice %arg4[%add3A_26] : memref<507904xi32, #tpu.memory_space<hbm>> -> memref<248xi32, #tpu.memory_space<hbm>>
      %dma_start3A_51 = tpu.memref_slice %arg4[%add3A_26] : memref<507904xi32, #tpu.memory_space<hbm>> -> memref<248xi32, #tpu.memory_space<hbm>>
      tpu.enqueue_dma source(%dma_start3A_51 : memref<248xi32, #tpu.memory_space<hbm>>) target(%arg11 : memref<248xi32, #tpu.memory_space<vmem>>) target_semaphore(%arg19 : memref<!tpu.dma_semaphore, #tpu.memory_space<semaphore_mem>>)
      %dma_start3A_52 = tpu.memref_slice %arg4[%add3A_33] : memref<507904xi32, #tpu.memory_space<hbm>> -> memref<248xi32, #tpu.memory_space<hbm>>
      %dma_start3A_53 = tpu.memref_slice %arg4[%add3A_33] : memref<507904xi32, #tpu.memory_space<hbm>> -> memref<248xi32, #tpu.memory_space<hbm>>
      tpu.enqueue_dma source(%dma_start3A_53 : memref<248xi32, #tpu.memory_space<hbm>>) target(%arg12 : memref<248xi32, #tpu.memory_space<vmem>>) target_semaphore(%arg20 : memref<!tpu.dma_semaphore, #tpu.memory_space<semaphore_mem>>)
      %dma_start3A_54 = tpu.memref_slice %arg4[%add3A_40] : memref<507904xi32, #tpu.memory_space<hbm>> -> memref<248xi32, #tpu.memory_space<hbm>>
      %dma_start3A_55 = tpu.memref_slice %arg4[%add3A_40] : memref<507904xi32, #tpu.memory_space<hbm>> -> memref<248xi32, #tpu.memory_space<hbm>>
      tpu.enqueue_dma source(%dma_start3A_55 : memref<248xi32, #tpu.memory_space<hbm>>) target(%arg13 : memref<248xi32, #tpu.memory_space<vmem>>) target_semaphore(%arg21 : memref<!tpu.dma_semaphore, #tpu.memory_space<semaphore_mem>>)
      %dma_wait3A = tpu.memref_slice %arg3[%add3A_19] : memref<507904xi32, #tpu.memory_space<hbm>> -> memref<248xi32, #tpu.memory_space<hbm>>
      %dma_wait3A_56 = tpu.memref_slice %arg3[%add3A_19] : memref<507904xi32, #tpu.memory_space<hbm>> -> memref<248xi32, #tpu.memory_space<hbm>>
      tpu.wait_dma2 semaphore(%arg18 : memref<!tpu.dma_semaphore, #tpu.memory_space<semaphore_mem>>) src(%dma_wait3A_56 : memref<248xi32, #tpu.memory_space<hbm>>) dst(%arg6 : memref<248xi32, #tpu.memory_space<vmem>>)
      %dma_wait3A_57 = tpu.memref_slice %arg4[%add3A_19] : memref<507904xi32, #tpu.memory_space<hbm>> -> memref<248xi32, #tpu.memory_space<hbm>>
      %dma_wait3A_58 = tpu.memref_slice %arg4[%add3A_19] : memref<507904xi32, #tpu.memory_space<hbm>> -> memref<248xi32, #tpu.memory_space<hbm>>
      tpu.wait_dma2 semaphore(%arg18 : memref<!tpu.dma_semaphore, #tpu.memory_space<semaphore_mem>>) src(%dma_wait3A_58 : memref<248xi32, #tpu.memory_space<hbm>>) dst(%arg10 : memref<248xi32, #tpu.memory_space<vmem>>)
      %dma_start3A_59 = arith.constant 0 : i32
      %dma_start3A_60 = arith.constant 0 : i32
      %dma_start3A_61 = tpu.memref_slice %arg2[%dma_start3A_59, %dma_start3A_60] : memref<640000x64xf32, #tpu.memory_space<hbm>> -> memref<640000x64xf32, #tpu.memory_space<hbm>>
      tpu.enqueue_indirect_dma source(%dma_start3A_61 : memref<640000x64xf32, #tpu.memory_space<hbm>>) target(%arg14 : memref<248x64xf32, #tpu.memory_space<vmem>>) offsets(%arg6 : memref<248xi32, #tpu.memory_space<vmem>>) semaphore(%arg18 : memref<!tpu.dma_semaphore, #tpu.memory_space<semaphore_mem>>)
      %dma_wait3A_62 = tpu.memref_slice %arg3[%add3A_26] : memref<507904xi32, #tpu.memory_space<hbm>> -> memref<248xi32, #tpu.memory_space<hbm>>
      %dma_wait3A_63 = tpu.memref_slice %arg3[%add3A_26] : memref<507904xi32, #tpu.memory_space<hbm>> -> memref<248xi32, #tpu.memory_space<hbm>>
      tpu.wait_dma2 semaphore(%arg19 : memref<!tpu.dma_semaphore, #tpu.memory_space<semaphore_mem>>) src(%dma_wait3A_63 : memref<248xi32, #tpu.memory_space<hbm>>) dst(%arg7 : memref<248xi32, #tpu.memory_space<vmem>>)
      %dma_wait3A_64 = tpu.memref_slice %arg4[%add3A_26] : memref<507904xi32, #tpu.memory_space<hbm>> -> memref<248xi32, #tpu.memory_space<hbm>>
      %dma_wait3A_65 = tpu.memref_slice %arg4[%add3A_26] : memref<507904xi32, #tpu.memory_space<hbm>> -> memref<248xi32, #tpu.memory_space<hbm>>
      tpu.wait_dma2 semaphore(%arg19 : memref<!tpu.dma_semaphore, #tpu.memory_space<semaphore_mem>>) src(%dma_wait3A_65 : memref<248xi32, #tpu.memory_space<hbm>>) dst(%arg11 : memref<248xi32, #tpu.memory_space<vmem>>)
      %dma_start3A_66 = arith.constant 0 : i32
      %dma_start3A_67 = arith.constant 0 : i32
      %dma_start3A_68 = tpu.memref_slice %arg2[%dma_start3A_66, %dma_start3A_67] : memref<640000x64xf32, #tpu.memory_space<hbm>> -> memref<640000x64xf32, #tpu.memory_space<hbm>>
      tpu.enqueue_indirect_dma source(%dma_start3A_68 : memref<640000x64xf32, #tpu.memory_space<hbm>>) target(%arg15 : memref<248x64xf32, #tpu.memory_space<vmem>>) offsets(%arg7 : memref<248xi32, #tpu.memory_space<vmem>>) semaphore(%arg19 : memref<!tpu.dma_semaphore, #tpu.memory_space<semaphore_mem>>)
      %dma_wait3A_69 = tpu.memref_slice %arg3[%add3A_33] : memref<507904xi32, #tpu.memory_space<hbm>> -> memref<248xi32, #tpu.memory_space<hbm>>
      %dma_wait3A_70 = tpu.memref_slice %arg3[%add3A_33] : memref<507904xi32, #tpu.memory_space<hbm>> -> memref<248xi32, #tpu.memory_space<hbm>>
      tpu.wait_dma2 semaphore(%arg20 : memref<!tpu.dma_semaphore, #tpu.memory_space<semaphore_mem>>) src(%dma_wait3A_70 : memref<248xi32, #tpu.memory_space<hbm>>) dst(%arg8 : memref<248xi32, #tpu.memory_space<vmem>>)
      %dma_wait3A_71 = tpu.memref_slice %arg4[%add3A_33] : memref<507904xi32, #tpu.memory_space<hbm>> -> memref<248xi32, #tpu.memory_space<hbm>>
      %dma_wait3A_72 = tpu.memref_slice %arg4[%add3A_33] : memref<507904xi32, #tpu.memory_space<hbm>> -> memref<248xi32, #tpu.memory_space<hbm>>
      tpu.wait_dma2 semaphore(%arg20 : memref<!tpu.dma_semaphore, #tpu.memory_space<semaphore_mem>>) src(%dma_wait3A_72 : memref<248xi32, #tpu.memory_space<hbm>>) dst(%arg12 : memref<248xi32, #tpu.memory_space<vmem>>)
      %dma_start3A_73 = arith.constant 0 : i32
      %dma_start3A_74 = arith.constant 0 : i32
      %dma_start3A_75 = tpu.memref_slice %arg2[%dma_start3A_73, %dma_start3A_74] : memref<640000x64xf32, #tpu.memory_space<hbm>> -> memref<640000x64xf32, #tpu.memory_space<hbm>>
      tpu.enqueue_indirect_dma source(%dma_start3A_75 : memref<640000x64xf32, #tpu.memory_space<hbm>>) target(%arg16 : memref<248x64xf32, #tpu.memory_space<vmem>>) offsets(%arg8 : memref<248xi32, #tpu.memory_space<vmem>>) semaphore(%arg20 : memref<!tpu.dma_semaphore, #tpu.memory_space<semaphore_mem>>)
      %dma_wait3A_76 = tpu.memref_slice %arg3[%add3A_40] : memref<507904xi32, #tpu.memory_space<hbm>> -> memref<248xi32, #tpu.memory_space<hbm>>
      %dma_wait3A_77 = tpu.memref_slice %arg3[%add3A_40] : memref<507904xi32, #tpu.memory_space<hbm>> -> memref<248xi32, #tpu.memory_space<hbm>>
      tpu.wait_dma2 semaphore(%arg21 : memref<!tpu.dma_semaphore, #tpu.memory_space<semaphore_mem>>) src(%dma_wait3A_77 : memref<248xi32, #tpu.memory_space<hbm>>) dst(%arg9 : memref<248xi32, #tpu.memory_space<vmem>>)
      %dma_wait3A_78 = tpu.memref_slice %arg4[%add3A_40] : memref<507904xi32, #tpu.memory_space<hbm>> -> memref<248xi32, #tpu.memory_space<hbm>>
      %dma_wait3A_79 = tpu.memref_slice %arg4[%add3A_40] : memref<507904xi32, #tpu.memory_space<hbm>> -> memref<248xi32, #tpu.memory_space<hbm>>
      tpu.wait_dma2 semaphore(%arg21 : memref<!tpu.dma_semaphore, #tpu.memory_space<semaphore_mem>>) src(%dma_wait3A_79 : memref<248xi32, #tpu.memory_space<hbm>>) dst(%arg13 : memref<248xi32, #tpu.memory_space<vmem>>)
      %dma_start3A_80 = arith.constant 0 : i32
      %dma_start3A_81 = arith.constant 0 : i32
      %dma_start3A_82 = tpu.memref_slice %arg2[%dma_start3A_80, %dma_start3A_81] : memref<640000x64xf32, #tpu.memory_space<hbm>> -> memref<640000x64xf32, #tpu.memory_space<hbm>>
      tpu.enqueue_indirect_dma source(%dma_start3A_82 : memref<640000x64xf32, #tpu.memory_space<hbm>>) target(%arg17 : memref<248x64xf32, #tpu.memory_space<vmem>>) offsets(%arg9 : memref<248xi32, #tpu.memory_space<vmem>>) semaphore(%arg21 : memref<!tpu.dma_semaphore, #tpu.memory_space<semaphore_mem>>)
      %dma_wait3A_83 = arith.constant 0 : i32
      %dma_wait3A_84 = arith.constant 0 : i32
      %dma_wait3A_85 = tpu.memref_slice %arg2[%dma_wait3A_83, %dma_wait3A_84] : memref<640000x64xf32, #tpu.memory_space<hbm>> -> memref<640000x64xf32, #tpu.memory_space<hbm>>
      tpu.wait_indirect_dma semaphore(%arg18 : memref<!tpu.dma_semaphore, #tpu.memory_space<semaphore_mem>>) src(%dma_wait3A_85 : memref<640000x64xf32, #tpu.memory_space<hbm>>) dst(%arg14 : memref<248x64xf32, #tpu.memory_space<vmem>>)
      %dma_start3A_86 = arith.constant 0 : i32
      %dma_start3A_87 = arith.constant 0 : i32
      %dma_start3A_88 = tpu.memref_slice %arg2[%dma_start3A_86, %dma_start3A_87] : memref<640000x64xf32, #tpu.memory_space<hbm>> -> memref<640000x64xf32, #tpu.memory_space<hbm>>
      tpu.enqueue_indirect_dma source(%dma_start3A_88 : memref<640000x64xf32, #tpu.memory_space<hbm>>) target(%arg14 : memref<248x64xf32, #tpu.memory_space<vmem>>) offsets(%arg10 : memref<248xi32, #tpu.memory_space<vmem>>) semaphore(%arg18 : memref<!tpu.dma_semaphore, #tpu.memory_space<semaphore_mem>>) {add = true}
      %dma_wait3A_89 = arith.constant 0 : i32
      %dma_wait3A_90 = arith.constant 0 : i32
      %dma_wait3A_91 = tpu.memref_slice %arg2[%dma_wait3A_89, %dma_wait3A_90] : memref<640000x64xf32, #tpu.memory_space<hbm>> -> memref<640000x64xf32, #tpu.memory_space<hbm>>
      tpu.wait_indirect_dma semaphore(%arg19 : memref<!tpu.dma_semaphore, #tpu.memory_space<semaphore_mem>>) src(%dma_wait3A_91 : memref<640000x64xf32, #tpu.memory_space<hbm>>) dst(%arg15 : memref<248x64xf32, #tpu.memory_space<vmem>>)
      %dma_start3A_92 = arith.constant 0 : i32
      %dma_start3A_93 = arith.constant 0 : i32
      %dma_start3A_94 = tpu.memref_slice %arg2[%dma_start3A_92, %dma_start3A_93] : memref<640000x64xf32, #tpu.memory_space<hbm>> -> memref<640000x64xf32, #tpu.memory_space<hbm>>
      tpu.enqueue_indirect_dma source(%dma_start3A_94 : memref<640000x64xf32, #tpu.memory_space<hbm>>) target(%arg15 : memref<248x64xf32, #tpu.memory_space<vmem>>) offsets(%arg11 : memref<248xi32, #tpu.memory_space<vmem>>) semaphore(%arg19 : memref<!tpu.dma_semaphore, #tpu.memory_space<semaphore_mem>>) {add = true}
      %dma_wait3A_95 = arith.constant 0 : i32
      %dma_wait3A_96 = arith.constant 0 : i32
      %dma_wait3A_97 = tpu.memref_slice %arg2[%dma_wait3A_95, %dma_wait3A_96] : memref<640000x64xf32, #tpu.memory_space<hbm>> -> memref<640000x64xf32, #tpu.memory_space<hbm>>
      tpu.wait_indirect_dma semaphore(%arg20 : memref<!tpu.dma_semaphore, #tpu.memory_space<semaphore_mem>>) src(%dma_wait3A_97 : memref<640000x64xf32, #tpu.memory_space<hbm>>) dst(%arg16 : memref<248x64xf32, #tpu.memory_space<vmem>>)
      %dma_start3A_98 = arith.constant 0 : i32
      %dma_start3A_99 = arith.constant 0 : i32
      %dma_start3A_100 = tpu.memref_slice %arg2[%dma_start3A_98, %dma_start3A_99] : memref<640000x64xf32, #tpu.memory_space<hbm>> -> memref<640000x64xf32, #tpu.memory_space<hbm>>
      tpu.enqueue_indirect_dma source(%dma_start3A_100 : memref<640000x64xf32, #tpu.memory_space<hbm>>) target(%arg16 : memref<248x64xf32, #tpu.memory_space<vmem>>) offsets(%arg12 : memref<248xi32, #tpu.memory_space<vmem>>) semaphore(%arg20 : memref<!tpu.dma_semaphore, #tpu.memory_space<semaphore_mem>>) {add = true}
      %dma_wait3A_101 = arith.constant 0 : i32
      %dma_wait3A_102 = arith.constant 0 : i32
      %dma_wait3A_103 = tpu.memref_slice %arg2[%dma_wait3A_101, %dma_wait3A_102] : memref<640000x64xf32, #tpu.memory_space<hbm>> -> memref<640000x64xf32, #tpu.memory_space<hbm>>
      tpu.wait_indirect_dma semaphore(%arg21 : memref<!tpu.dma_semaphore, #tpu.memory_space<semaphore_mem>>) src(%dma_wait3A_103 : memref<640000x64xf32, #tpu.memory_space<hbm>>) dst(%arg17 : memref<248x64xf32, #tpu.memory_space<vmem>>)
      %dma_start3A_104 = arith.constant 0 : i32
      %dma_start3A_105 = arith.constant 0 : i32
      %dma_start3A_106 = tpu.memref_slice %arg2[%dma_start3A_104, %dma_start3A_105] : memref<640000x64xf32, #tpu.memory_space<hbm>> -> memref<640000x64xf32, #tpu.memory_space<hbm>>
      tpu.enqueue_indirect_dma source(%dma_start3A_106 : memref<640000x64xf32, #tpu.memory_space<hbm>>) target(%arg17 : memref<248x64xf32, #tpu.memory_space<vmem>>) offsets(%arg13 : memref<248xi32, #tpu.memory_space<vmem>>) semaphore(%arg21 : memref<!tpu.dma_semaphore, #tpu.memory_space<semaphore_mem>>) {add = true}
      %dma_wait3A_107 = arith.constant 0 : i32
      %dma_wait3A_108 = arith.constant 0 : i32
      %dma_wait3A_109 = tpu.memref_slice %arg2[%dma_wait3A_107, %dma_wait3A_108] : memref<640000x64xf32, #tpu.memory_space<hbm>> -> memref<640000x64xf32, #tpu.memory_space<hbm>>
      tpu.wait_indirect_dma semaphore(%arg18 : memref<!tpu.dma_semaphore, #tpu.memory_space<semaphore_mem>>) src(%dma_wait3A_109 : memref<640000x64xf32, #tpu.memory_space<hbm>>) dst(%arg14 : memref<248x64xf32, #tpu.memory_space<vmem>>)
      %dma_start3A_110 = arith.constant 0 : i32
      %dma_start3A_111 = tpu.memref_slice %arg5[%add3A_19, %dma_start3A_110] : memref<507904x64xf32, #tpu.memory_space<hbm>> -> memref<248x64xf32, #tpu.memory_space<hbm>>
      %dma_start3A_112 = arith.constant 0 : i32
      %dma_start3A_113 = tpu.memref_slice %arg5[%add3A_19, %dma_start3A_112] : memref<507904x64xf32, #tpu.memory_space<hbm>> -> memref<248x64xf32, #tpu.memory_space<hbm>>
      tpu.enqueue_dma source(%arg14 : memref<248x64xf32, #tpu.memory_space<vmem>>) target(%dma_start3A_113 : memref<248x64xf32, #tpu.memory_space<hbm>>) target_semaphore(%arg18 : memref<!tpu.dma_semaphore, #tpu.memory_space<semaphore_mem>>)
      %dma_wait3A_114 = arith.constant 0 : i32
      %dma_wait3A_115 = arith.constant 0 : i32
      %dma_wait3A_116 = tpu.memref_slice %arg2[%dma_wait3A_114, %dma_wait3A_115] : memref<640000x64xf32, #tpu.memory_space<hbm>> -> memref<640000x64xf32, #tpu.memory_space<hbm>>
      tpu.wait_indirect_dma semaphore(%arg19 : memref<!tpu.dma_semaphore, #tpu.memory_space<semaphore_mem>>) src(%dma_wait3A_116 : memref<640000x64xf32, #tpu.memory_space<hbm>>) dst(%arg15 : memref<248x64xf32, #tpu.memory_space<vmem>>)
      %dma_start3A_117 = arith.constant 0 : i32
      %dma_start3A_118 = tpu.memref_slice %arg5[%add3A_26, %dma_start3A_117] : memref<507904x64xf32, #tpu.memory_space<hbm>> -> memref<248x64xf32, #tpu.memory_space<hbm>>
      %dma_start3A_119 = arith.constant 0 : i32
      %dma_start3A_120 = tpu.memref_slice %arg5[%add3A_26, %dma_start3A_119] : memref<507904x64xf32, #tpu.memory_space<hbm>> -> memref<248x64xf32, #tpu.memory_space<hbm>>
      tpu.enqueue_dma source(%arg15 : memref<248x64xf32, #tpu.memory_space<vmem>>) target(%dma_start3A_120 : memref<248x64xf32, #tpu.memory_space<hbm>>) target_semaphore(%arg19 : memref<!tpu.dma_semaphore, #tpu.memory_space<semaphore_mem>>)
      %dma_wait3A_121 = arith.constant 0 : i32
      %dma_wait3A_122 = arith.constant 0 : i32
      %dma_wait3A_123 = tpu.memref_slice %arg2[%dma_wait3A_121, %dma_wait3A_122] : memref<640000x64xf32, #tpu.memory_space<hbm>> -> memref<640000x64xf32, #tpu.memory_space<hbm>>
      tpu.wait_indirect_dma semaphore(%arg20 : memref<!tpu.dma_semaphore, #tpu.memory_space<semaphore_mem>>) src(%dma_wait3A_123 : memref<640000x64xf32, #tpu.memory_space<hbm>>) dst(%arg16 : memref<248x64xf32, #tpu.memory_space<vmem>>)
      %dma_start3A_124 = arith.constant 0 : i32
      %dma_start3A_125 = tpu.memref_slice %arg5[%add3A_33, %dma_start3A_124] : memref<507904x64xf32, #tpu.memory_space<hbm>> -> memref<248x64xf32, #tpu.memory_space<hbm>>
      %dma_start3A_126 = arith.constant 0 : i32
      %dma_start3A_127 = tpu.memref_slice %arg5[%add3A_33, %dma_start3A_126] : memref<507904x64xf32, #tpu.memory_space<hbm>> -> memref<248x64xf32, #tpu.memory_space<hbm>>
      tpu.enqueue_dma source(%arg16 : memref<248x64xf32, #tpu.memory_space<vmem>>) target(%dma_start3A_127 : memref<248x64xf32, #tpu.memory_space<hbm>>) target_semaphore(%arg20 : memref<!tpu.dma_semaphore, #tpu.memory_space<semaphore_mem>>)
      %dma_wait3A_128 = arith.constant 0 : i32
      %dma_wait3A_129 = arith.constant 0 : i32
      %dma_wait3A_130 = tpu.memref_slice %arg2[%dma_wait3A_128, %dma_wait3A_129] : memref<640000x64xf32, #tpu.memory_space<hbm>> -> memref<640000x64xf32, #tpu.memory_space<hbm>>
      tpu.wait_indirect_dma semaphore(%arg21 : memref<!tpu.dma_semaphore, #tpu.memory_space<semaphore_mem>>) src(%dma_wait3A_130 : memref<640000x64xf32, #tpu.memory_space<hbm>>) dst(%arg17 : memref<248x64xf32, #tpu.memory_space<vmem>>)
      %dma_start3A_131 = arith.constant 0 : i32
      %dma_start3A_132 = tpu.memref_slice %arg5[%add3A_40, %dma_start3A_131] : memref<507904x64xf32, #tpu.memory_space<hbm>> -> memref<248x64xf32, #tpu.memory_space<hbm>>
      %dma_start3A_133 = arith.constant 0 : i32
      %dma_start3A_134 = tpu.memref_slice %arg5[%add3A_40, %dma_start3A_133] : memref<507904x64xf32, #tpu.memory_space<hbm>> -> memref<248x64xf32, #tpu.memory_space<hbm>>
      tpu.enqueue_dma source(%arg17 : memref<248x64xf32, #tpu.memory_space<vmem>>) target(%dma_start3A_134 : memref<248x64xf32, #tpu.memory_space<hbm>>) target_semaphore(%arg21 : memref<!tpu.dma_semaphore, #tpu.memory_space<semaphore_mem>>)
      %dma_wait3A_135 = arith.constant 0 : i32
      %dma_wait3A_136 = tpu.memref_slice %arg5[%add3A_19, %dma_wait3A_135] : memref<507904x64xf32, #tpu.memory_space<hbm>> -> memref<248x64xf32, #tpu.memory_space<hbm>>
      %dma_wait3A_137 = arith.constant 0 : i32
      %dma_wait3A_138 = tpu.memref_slice %arg5[%add3A_19, %dma_wait3A_137] : memref<507904x64xf32, #tpu.memory_space<hbm>> -> memref<248x64xf32, #tpu.memory_space<hbm>>
      tpu.wait_dma2 semaphore(%arg18 : memref<!tpu.dma_semaphore, #tpu.memory_space<semaphore_mem>>) src(%arg14 : memref<248x64xf32, #tpu.memory_space<vmem>>) dst(%dma_wait3A_138 : memref<248x64xf32, #tpu.memory_space<hbm>>)
      %dma_wait3A_139 = arith.constant 0 : i32
      %dma_wait3A_140 = tpu.memref_slice %arg5[%add3A_26, %dma_wait3A_139] : memref<507904x64xf32, #tpu.memory_space<hbm>> -> memref<248x64xf32, #tpu.memory_space<hbm>>
      %dma_wait3A_141 = arith.constant 0 : i32
      %dma_wait3A_142 = tpu.memref_slice %arg5[%add3A_26, %dma_wait3A_141] : memref<507904x64xf32, #tpu.memory_space<hbm>> -> memref<248x64xf32, #tpu.memory_space<hbm>>
      tpu.wait_dma2 semaphore(%arg19 : memref<!tpu.dma_semaphore, #tpu.memory_space<semaphore_mem>>) src(%arg15 : memref<248x64xf32, #tpu.memory_space<vmem>>) dst(%dma_wait3A_142 : memref<248x64xf32, #tpu.memory_space<hbm>>)
      %dma_wait3A_143 = arith.constant 0 : i32
      %dma_wait3A_144 = tpu.memref_slice %arg5[%add3A_33, %dma_wait3A_143] : memref<507904x64xf32, #tpu.memory_space<hbm>> -> memref<248x64xf32, #tpu.memory_space<hbm>>
      %dma_wait3A_145 = arith.constant 0 : i32
      %dma_wait3A_146 = tpu.memref_slice %arg5[%add3A_33, %dma_wait3A_145] : memref<507904x64xf32, #tpu.memory_space<hbm>> -> memref<248x64xf32, #tpu.memory_space<hbm>>
      tpu.wait_dma2 semaphore(%arg20 : memref<!tpu.dma_semaphore, #tpu.memory_space<semaphore_mem>>) src(%arg16 : memref<248x64xf32, #tpu.memory_space<vmem>>) dst(%dma_wait3A_146 : memref<248x64xf32, #tpu.memory_space<hbm>>)
      %dma_wait3A_147 = arith.constant 0 : i32
      %dma_wait3A_148 = tpu.memref_slice %arg5[%add3A_40, %dma_wait3A_147] : memref<507904x64xf32, #tpu.memory_space<hbm>> -> memref<248x64xf32, #tpu.memory_space<hbm>>
      %dma_wait3A_149 = arith.constant 0 : i32
      %dma_wait3A_150 = tpu.memref_slice %arg5[%add3A_40, %dma_wait3A_149] : memref<507904x64xf32, #tpu.memory_space<hbm>> -> memref<248x64xf32, #tpu.memory_space<hbm>>
      tpu.wait_dma2 semaphore(%arg21 : memref<!tpu.dma_semaphore, #tpu.memory_space<semaphore_mem>>) src(%arg17 : memref<248x64xf32, #tpu.memory_space<vmem>>) dst(%dma_wait3A_150 : memref<248x64xf32, #tpu.memory_space<hbm>>)
      %scan3A_151 = arith.constant 0 : i32
      scf.yield %scan3A_151 : i32
    }
    %scan3A_10 = arith.constant 16 : i32
    return
  }
}

#map = affine_map<(d0, d1) -> (0, 0)>
#map1 = affine_map<(d0, d1) -> (0)>
#map2 = affine_map<(d0, d1) -> (0, 0, 0)>
module attributes {stable_mosaic.version = 14 : i64} {
  func.func @_seg_sum_body(%arg0: i32, %arg1: i32, %arg2: memref<320000x128xf32, #tpu.memory_space<hbm>>, %arg3: memref<320000xi32, #tpu.memory_space<hbm>>, %arg4: memref<2x10240x128xf32, #tpu.memory_space<hbm>>, %arg5: memref<80xi32, #tpu.memory_space<vmem>>, %arg6: memref<80xi32, #tpu.memory_space<vmem>>, %arg7: memref<80xi32, #tpu.memory_space<vmem>>, %arg8: memref<80xi32, #tpu.memory_space<vmem>>, %arg9: memref<80x128xf32, #tpu.memory_space<vmem>>, %arg10: memref<80x128xf32, #tpu.memory_space<vmem>>, %arg11: memref<80x128xf32, #tpu.memory_space<vmem>>, %arg12: memref<80x128xf32, #tpu.memory_space<vmem>>, %arg13: memref<10240x128xf32, #tpu.memory_space<vmem_shared>>, %arg14: memref<!tpu.dma_semaphore, #tpu.memory_space<semaphore_mem>>, %arg15: memref<!tpu.dma_semaphore, #tpu.memory_space<semaphore_mem>>, %arg16: memref<!tpu.dma_semaphore, #tpu.memory_space<semaphore_mem>>, %arg17: memref<!tpu.dma_semaphore, #tpu.memory_space<semaphore_mem>>) attributes {dimension_semantics = [#tpu.dimension_semantics<core_parallel>, #tpu.dimension_semantics<subcore_parallel>], iteration_bounds = array<i64: 2, 16>, scalar_prefetch = 0 : i64, scratch_operands = 13 : i64, tpu.core_type = #tpu.core_type<sc_vector_subcore>, window_params = [{transform_indices = #map}, {transform_indices = #map1}, {transform_indices = #map2}]} {
    %mul3A = arith.constant 2 : i32
    %mul3A_0 = arith.muli %arg1, %mul3A : i32
    %add3A = arith.addi %mul3A_0, %arg0 : i32
    %scan3A = arith.constant 0 : i32
    %scan3A_1 = arith.constant 0 : i32
    %scan3A_2 = arith.constant 80 : i32
    %scan3A_3 = arith.addi %scan3A_1, %scan3A_2 : i32
    %scan3A_4 = arith.constant 1 : i32
    %scan3A_5 = scf.for %scan3A_35 = %scan3A_1 to %scan3A_3 step %scan3A_4 iter_args(%scan3A_36 = %scan3A) -> (i32)  : i32 {
      %scan3A_37 = arith.constant 0 : i32
      %scan3A_38 = arith.constant 0 : i32
      %scan3A_39 = arith.constant 8 : i32
      %scan3A_40 = arith.addi %scan3A_38, %scan3A_39 : i32
      %scan3A_41 = arith.constant 1 : i32
      %scan3A_42 = scf.for %scan3A_44 = %scan3A_38 to %scan3A_40 step %scan3A_41 iter_args(%scan3A_45 = %scan3A_37) -> (i32)  : i32 {
        %broadcast_in_dim3A = arith.constant 0.000000e+00 : f32
        %broadcast_in_dim3A_46 = vector.broadcast %broadcast_in_dim3A : f32 to vector<16xf32>
        %mul3A_47 = arith.constant 16 : i32
        %mul3A_48 = arith.muli %scan3A_44, %mul3A_47 : i32
        %swap3A = arith.index_cast %scan3A_35 : i32 to index
        %swap3A_49 = arith.index_cast %mul3A_48 : i32 to index
        %swap3A_50 = tpu.vector_load %arg9[%swap3A, %swap3A_49] {strides = array<i32>} : memref<80x128xf32, #tpu.memory_space<vmem>>, vector<1x16xf32>,
        %swap3A_51 = vector.shape_cast %swap3A_50 : vector<1x16xf32> to vector<16xf32>
        %swap3A_52 = vector.shape_cast %broadcast_in_dim3A_46 : vector<16xf32> to vector<1x16xf32>
        tpu.vector_store %arg9[%swap3A, %swap3A_49], %swap3A_52 {strides = array<i32>} : memref<80x128xf32, #tpu.memory_space<vmem>>, vector<1x16xf32>,
        %scan3A_53 = arith.constant 0 : i32
        scf.yield %scan3A_53 : i32
      }
      %scan3A_43 = arith.constant 8 : i32
      scf.yield %scan3A_42 : i32
    }
    %scan3A_6 = arith.constant 80 : i32
    %scan3A_7 = arith.constant 0 : i32
    %scan3A_8 = arith.constant 0 : i32
    %scan3A_9 = arith.constant 8 : i32
    %scan3A_10 = arith.addi %scan3A_8, %scan3A_9 : i32
    %scan3A_11 = arith.constant 1 : i32
    %scan3A_12 = scf.for %scan3A_35 = %scan3A_8 to %scan3A_10 step %scan3A_11 iter_args(%scan3A_36 = %scan3A_7) -> (i32)  : i32 {
      %mul3A_37 = arith.constant 640 : i32
      %mul3A_38 = arith.muli %arg1, %mul3A_37 : i32
      %mul3A_39 = arith.constant 80 : i32
      %mul3A_40 = arith.muli %scan3A_35, %mul3A_39 : i32
      %add3A_41 = arith.addi %mul3A_38, %mul3A_40 : i32
      "tpu.region"() ({
        %run_scoped3A = tpu.sem_alloc : memref<!tpu.dma_semaphore, #tpu.memory_space<semaphore_mem>>
        %dma_start3A = arith.constant 0 : i32
        %dma_start3A_43 = tpu.memref_slice %arg13[%add3A_41, %dma_start3A] : memref<10240x128xf32, #tpu.memory_space<vmem_shared>> -> memref<80x128xf32, #tpu.memory_space<vmem_shared>>
        %dma_start3A_44 = arith.constant 0 : i32
        %dma_start3A_45 = tpu.memref_slice %arg13[%add3A_41, %dma_start3A_44] : memref<10240x128xf32, #tpu.memory_space<vmem_shared>> -> memref<80x128xf32, #tpu.memory_space<vmem_shared>>
        tpu.enqueue_dma source(%arg9 : memref<80x128xf32, #tpu.memory_space<vmem>>) target(%dma_start3A_45 : memref<80x128xf32, #tpu.memory_space<vmem_shared>>) target_semaphore(%run_scoped3A : memref<!tpu.dma_semaphore, #tpu.memory_space<semaphore_mem>>)
        %dma_wait3A = arith.constant 0 : i32
        %dma_wait3A_46 = tpu.memref_slice %arg13[%add3A_41, %dma_wait3A] : memref<10240x128xf32, #tpu.memory_space<vmem_shared>> -> memref<80x128xf32, #tpu.memory_space<vmem_shared>>
        %dma_wait3A_47 = arith.constant 0 : i32
        %dma_wait3A_48 = tpu.memref_slice %arg13[%add3A_41, %dma_wait3A_47] : memref<10240x128xf32, #tpu.memory_space<vmem_shared>> -> memref<80x128xf32, #tpu.memory_space<vmem_shared>>
        tpu.wait_dma2 semaphore(%run_scoped3A : memref<!tpu.dma_semaphore, #tpu.memory_space<semaphore_mem>>) src(%arg9 : memref<80x128xf32, #tpu.memory_space<vmem>>) dst(%dma_wait3A_48 : memref<80x128xf32, #tpu.memory_space<vmem_shared>>)
        tpu.yield
      }) : () -> ()
      %scan3A_42 = arith.constant 0 : i32
      scf.yield %scan3A_42 : i32
    }
    %scan3A_13 = arith.constant 8 : i32
    %barrier3A = arith.constant 0 : index
    tpu.barrier barrier_id(%barrier3A)
    %mul3A_14 = arith.constant 10000 : i32
    %mul3A_15 = arith.muli %add3A, %mul3A_14 : i32
    %scan3A_16 = arith.constant 0 : i32
    %scan3A_17 = arith.constant 0 : i32
    %scan3A_18 = arith.constant 31 : i32
    %scan3A_19 = arith.addi %scan3A_17, %scan3A_18 : i32
    %scan3A_20 = arith.constant 1 : i32
    %scan3A_21 = scf.for %scan3A_35 = %scan3A_17 to %scan3A_19 step %scan3A_20 iter_args(%scan3A_36 = %scan3A_16) -> (i32)  : i32 {
      %mul3A_37 = arith.constant 4 : i32
      %mul3A_38 = arith.muli %scan3A_35, %mul3A_37 : i32
      %add3A_39 = arith.constant 0 : i32
      %add3A_40 = arith.addi %mul3A_38, %add3A_39 : i32
      %mul3A_41 = arith.constant 80 : i32
      %mul3A_42 = arith.muli %add3A_40, %mul3A_41 : i32
      %add3A_43 = arith.addi %mul3A_15, %mul3A_42 : i32
      %mul3A_44 = arith.constant 4 : i32
      %mul3A_45 = arith.muli %scan3A_35, %mul3A_44 : i32
      %add3A_46 = arith.constant 1 : i32
      %add3A_47 = arith.addi %mul3A_45, %add3A_46 : i32
      %mul3A_48 = arith.constant 80 : i32
      %mul3A_49 = arith.muli %add3A_47, %mul3A_48 : i32
      %add3A_50 = arith.addi %mul3A_15, %mul3A_49 : i32
      %mul3A_51 = arith.constant 4 : i32
      %mul3A_52 = arith.muli %scan3A_35, %mul3A_51 : i32
      %add3A_53 = arith.constant 2 : i32
      %add3A_54 = arith.addi %mul3A_52, %add3A_53 : i32
      %mul3A_55 = arith.constant 80 : i32
      %mul3A_56 = arith.muli %add3A_54, %mul3A_55 : i32
      %add3A_57 = arith.addi %mul3A_15, %mul3A_56 : i32
      %mul3A_58 = arith.constant 4 : i32
      %mul3A_59 = arith.muli %scan3A_35, %mul3A_58 : i32
      %add3A_60 = arith.constant 3 : i32
      %add3A_61 = arith.addi %mul3A_59, %add3A_60 : i32
      %mul3A_62 = arith.constant 80 : i32
      %mul3A_63 = arith.muli %add3A_61, %mul3A_62 : i32
      %add3A_64 = arith.addi %mul3A_15, %mul3A_63 : i32
      %dma_start3A = tpu.memref_slice %arg3[%add3A_43] : memref<320000xi32, #tpu.memory_space<hbm>> -> memref<80xi32, #tpu.memory_space<hbm>>
      %dma_start3A_65 = tpu.memref_slice %arg3[%add3A_43] : memref<320000xi32, #tpu.memory_space<hbm>> -> memref<80xi32, #tpu.memory_space<hbm>>
      tpu.enqueue_dma source(%dma_start3A_65 : memref<80xi32, #tpu.memory_space<hbm>>) target(%arg5 : memref<80xi32, #tpu.memory_space<vmem>>) target_semaphore(%arg14 : memref<!tpu.dma_semaphore, #tpu.memory_space<semaphore_mem>>)
      %dma_start3A_66 = tpu.memref_slice %arg3[%add3A_50] : memref<320000xi32, #tpu.memory_space<hbm>> -> memref<80xi32, #tpu.memory_space<hbm>>
      %dma_start3A_67 = tpu.memref_slice %arg3[%add3A_50] : memref<320000xi32, #tpu.memory_space<hbm>> -> memref<80xi32, #tpu.memory_space<hbm>>
      tpu.enqueue_dma source(%dma_start3A_67 : memref<80xi32, #tpu.memory_space<hbm>>) target(%arg6 : memref<80xi32, #tpu.memory_space<vmem>>) target_semaphore(%arg15 : memref<!tpu.dma_semaphore, #tpu.memory_space<semaphore_mem>>)
      %dma_start3A_68 = tpu.memref_slice %arg3[%add3A_57] : memref<320000xi32, #tpu.memory_space<hbm>> -> memref<80xi32, #tpu.memory_space<hbm>>
      %dma_start3A_69 = tpu.memref_slice %arg3[%add3A_57] : memref<320000xi32, #tpu.memory_space<hbm>> -> memref<80xi32, #tpu.memory_space<hbm>>
      tpu.enqueue_dma source(%dma_start3A_69 : memref<80xi32, #tpu.memory_space<hbm>>) target(%arg7 : memref<80xi32, #tpu.memory_space<vmem>>) target_semaphore(%arg16 : memref<!tpu.dma_semaphore, #tpu.memory_space<semaphore_mem>>)
      %dma_start3A_70 = tpu.memref_slice %arg3[%add3A_64] : memref<320000xi32, #tpu.memory_space<hbm>> -> memref<80xi32, #tpu.memory_space<hbm>>
      %dma_start3A_71 = tpu.memref_slice %arg3[%add3A_64] : memref<320000xi32, #tpu.memory_space<hbm>> -> memref<80xi32, #tpu.memory_space<hbm>>
      tpu.enqueue_dma source(%dma_start3A_71 : memref<80xi32, #tpu.memory_space<hbm>>) target(%arg8 : memref<80xi32, #tpu.memory_space<vmem>>) target_semaphore(%arg17 : memref<!tpu.dma_semaphore, #tpu.memory_space<semaphore_mem>>)
      %dma_start3A_72 = arith.constant 0 : i32
      %dma_start3A_73 = tpu.memref_slice %arg2[%add3A_43, %dma_start3A_72] : memref<320000x128xf32, #tpu.memory_space<hbm>> -> memref<80x128xf32, #tpu.memory_space<hbm>>
      %dma_start3A_74 = arith.constant 0 : i32
      %dma_start3A_75 = tpu.memref_slice %arg2[%add3A_43, %dma_start3A_74] : memref<320000x128xf32, #tpu.memory_space<hbm>> -> memref<80x128xf32, #tpu.memory_space<hbm>>
      tpu.enqueue_dma source(%dma_start3A_75 : memref<80x128xf32, #tpu.memory_space<hbm>>) target(%arg9 : memref<80x128xf32, #tpu.memory_space<vmem>>) target_semaphore(%arg14 : memref<!tpu.dma_semaphore, #tpu.memory_space<semaphore_mem>>)
      %dma_start3A_76 = arith.constant 0 : i32
      %dma_start3A_77 = tpu.memref_slice %arg2[%add3A_50, %dma_start3A_76] : memref<320000x128xf32, #tpu.memory_space<hbm>> -> memref<80x128xf32, #tpu.memory_space<hbm>>
      %dma_start3A_78 = arith.constant 0 : i32
      %dma_start3A_79 = tpu.memref_slice %arg2[%add3A_50, %dma_start3A_78] : memref<320000x128xf32, #tpu.memory_space<hbm>> -> memref<80x128xf32, #tpu.memory_space<hbm>>
      tpu.enqueue_dma source(%dma_start3A_79 : memref<80x128xf32, #tpu.memory_space<hbm>>) target(%arg10 : memref<80x128xf32, #tpu.memory_space<vmem>>) target_semaphore(%arg15 : memref<!tpu.dma_semaphore, #tpu.memory_space<semaphore_mem>>)
      %dma_start3A_80 = arith.constant 0 : i32
      %dma_start3A_81 = tpu.memref_slice %arg2[%add3A_57, %dma_start3A_80] : memref<320000x128xf32, #tpu.memory_space<hbm>> -> memref<80x128xf32, #tpu.memory_space<hbm>>
      %dma_start3A_82 = arith.constant 0 : i32
      %dma_start3A_83 = tpu.memref_slice %arg2[%add3A_57, %dma_start3A_82] : memref<320000x128xf32, #tpu.memory_space<hbm>> -> memref<80x128xf32, #tpu.memory_space<hbm>>
      tpu.enqueue_dma source(%dma_start3A_83 : memref<80x128xf32, #tpu.memory_space<hbm>>) target(%arg11 : memref<80x128xf32, #tpu.memory_space<vmem>>) target_semaphore(%arg16 : memref<!tpu.dma_semaphore, #tpu.memory_space<semaphore_mem>>)
      %dma_start3A_84 = arith.constant 0 : i32
      %dma_start3A_85 = tpu.memref_slice %arg2[%add3A_64, %dma_start3A_84] : memref<320000x128xf32, #tpu.memory_space<hbm>> -> memref<80x128xf32, #tpu.memory_space<hbm>>
      %dma_start3A_86 = arith.constant 0 : i32
      %dma_start3A_87 = tpu.memref_slice %arg2[%add3A_64, %dma_start3A_86] : memref<320000x128xf32, #tpu.memory_space<hbm>> -> memref<80x128xf32, #tpu.memory_space<hbm>>
      tpu.enqueue_dma source(%dma_start3A_87 : memref<80x128xf32, #tpu.memory_space<hbm>>) target(%arg12 : memref<80x128xf32, #tpu.memory_space<vmem>>) target_semaphore(%arg17 : memref<!tpu.dma_semaphore, #tpu.memory_space<semaphore_mem>>)
      %dma_wait3A = tpu.memref_slice %arg3[%add3A_43] : memref<320000xi32, #tpu.memory_space<hbm>> -> memref<80xi32, #tpu.memory_space<hbm>>
      %dma_wait3A_88 = tpu.memref_slice %arg3[%add3A_43] : memref<320000xi32, #tpu.memory_space<hbm>> -> memref<80xi32, #tpu.memory_space<hbm>>
      tpu.wait_dma2 semaphore(%arg14 : memref<!tpu.dma_semaphore, #tpu.memory_space<semaphore_mem>>) src(%dma_wait3A_88 : memref<80xi32, #tpu.memory_space<hbm>>) dst(%arg5 : memref<80xi32, #tpu.memory_space<vmem>>)
      %dma_wait3A_89 = arith.constant 0 : i32
      %dma_wait3A_90 = tpu.memref_slice %arg2[%add3A_43, %dma_wait3A_89] : memref<320000x128xf32, #tpu.memory_space<hbm>> -> memref<80x128xf32, #tpu.memory_space<hbm>>
      %dma_wait3A_91 = arith.constant 0 : i32
      %dma_wait3A_92 = tpu.memref_slice %arg2[%add3A_43, %dma_wait3A_91] : memref<320000x128xf32, #tpu.memory_space<hbm>> -> memref<80x128xf32, #tpu.memory_space<hbm>>
      tpu.wait_dma2 semaphore(%arg14 : memref<!tpu.dma_semaphore, #tpu.memory_space<semaphore_mem>>) src(%dma_wait3A_92 : memref<80x128xf32, #tpu.memory_space<hbm>>) dst(%arg9 : memref<80x128xf32, #tpu.memory_space<vmem>>)
      %dma_start3A_93 = arith.constant 0 : i32
      %dma_start3A_94 = arith.constant 0 : i32
      %dma_start3A_95 = tpu.memref_slice %arg13[%dma_start3A_93, %dma_start3A_94] : memref<10240x128xf32, #tpu.memory_space<vmem_shared>> -> memref<10240x128xf32, #tpu.memory_space<vmem_shared>>
      tpu.enqueue_indirect_dma source(%arg9 : memref<80x128xf32, #tpu.memory_space<vmem>>) target(%dma_start3A_95 : memref<10240x128xf32, #tpu.memory_space<vmem_shared>>) offsets(%arg5 : memref<80xi32, #tpu.memory_space<vmem>>) semaphore(%arg14 : memref<!tpu.dma_semaphore, #tpu.memory_space<semaphore_mem>>) {add = true}
      %dma_wait3A_96 = tpu.memref_slice %arg3[%add3A_50] : memref<320000xi32, #tpu.memory_space<hbm>> -> memref<80xi32, #tpu.memory_space<hbm>>
      %dma_wait3A_97 = tpu.memref_slice %arg3[%add3A_50] : memref<320000xi32, #tpu.memory_space<hbm>> -> memref<80xi32, #tpu.memory_space<hbm>>
      tpu.wait_dma2 semaphore(%arg15 : memref<!tpu.dma_semaphore, #tpu.memory_space<semaphore_mem>>) src(%dma_wait3A_97 : memref<80xi32, #tpu.memory_space<hbm>>) dst(%arg6 : memref<80xi32, #tpu.memory_space<vmem>>)
      %dma_wait3A_98 = arith.constant 0 : i32
      %dma_wait3A_99 = tpu.memref_slice %arg2[%add3A_50, %dma_wait3A_98] : memref<320000x128xf32, #tpu.memory_space<hbm>> -> memref<80x128xf32, #tpu.memory_space<hbm>>
      %dma_wait3A_100 = arith.constant 0 : i32
      %dma_wait3A_101 = tpu.memref_slice %arg2[%add3A_50, %dma_wait3A_100] : memref<320000x128xf32, #tpu.memory_space<hbm>> -> memref<80x128xf32, #tpu.memory_space<hbm>>
      tpu.wait_dma2 semaphore(%arg15 : memref<!tpu.dma_semaphore, #tpu.memory_space<semaphore_mem>>) src(%dma_wait3A_101 : memref<80x128xf32, #tpu.memory_space<hbm>>) dst(%arg10 : memref<80x128xf32, #tpu.memory_space<vmem>>)
      %dma_start3A_102 = arith.constant 0 : i32
      %dma_start3A_103 = arith.constant 0 : i32
      %dma_start3A_104 = tpu.memref_slice %arg13[%dma_start3A_102, %dma_start3A_103] : memref<10240x128xf32, #tpu.memory_space<vmem_shared>> -> memref<10240x128xf32, #tpu.memory_space<vmem_shared>>
      tpu.enqueue_indirect_dma source(%arg10 : memref<80x128xf32, #tpu.memory_space<vmem>>) target(%dma_start3A_104 : memref<10240x128xf32, #tpu.memory_space<vmem_shared>>) offsets(%arg6 : memref<80xi32, #tpu.memory_space<vmem>>) semaphore(%arg15 : memref<!tpu.dma_semaphore, #tpu.memory_space<semaphore_mem>>) {add = true}
      %dma_wait3A_105 = tpu.memref_slice %arg3[%add3A_57] : memref<320000xi32, #tpu.memory_space<hbm>> -> memref<80xi32, #tpu.memory_space<hbm>>
      %dma_wait3A_106 = tpu.memref_slice %arg3[%add3A_57] : memref<320000xi32, #tpu.memory_space<hbm>> -> memref<80xi32, #tpu.memory_space<hbm>>
      tpu.wait_dma2 semaphore(%arg16 : memref<!tpu.dma_semaphore, #tpu.memory_space<semaphore_mem>>) src(%dma_wait3A_106 : memref<80xi32, #tpu.memory_space<hbm>>) dst(%arg7 : memref<80xi32, #tpu.memory_space<vmem>>)
      %dma_wait3A_107 = arith.constant 0 : i32
      %dma_wait3A_108 = tpu.memref_slice %arg2[%add3A_57, %dma_wait3A_107] : memref<320000x128xf32, #tpu.memory_space<hbm>> -> memref<80x128xf32, #tpu.memory_space<hbm>>
      %dma_wait3A_109 = arith.constant 0 : i32
      %dma_wait3A_110 = tpu.memref_slice %arg2[%add3A_57, %dma_wait3A_109] : memref<320000x128xf32, #tpu.memory_space<hbm>> -> memref<80x128xf32, #tpu.memory_space<hbm>>
      tpu.wait_dma2 semaphore(%arg16 : memref<!tpu.dma_semaphore, #tpu.memory_space<semaphore_mem>>) src(%dma_wait3A_110 : memref<80x128xf32, #tpu.memory_space<hbm>>) dst(%arg11 : memref<80x128xf32, #tpu.memory_space<vmem>>)
      %dma_start3A_111 = arith.constant 0 : i32
      %dma_start3A_112 = arith.constant 0 : i32
      %dma_start3A_113 = tpu.memref_slice %arg13[%dma_start3A_111, %dma_start3A_112] : memref<10240x128xf32, #tpu.memory_space<vmem_shared>> -> memref<10240x128xf32, #tpu.memory_space<vmem_shared>>
      tpu.enqueue_indirect_dma source(%arg11 : memref<80x128xf32, #tpu.memory_space<vmem>>) target(%dma_start3A_113 : memref<10240x128xf32, #tpu.memory_space<vmem_shared>>) offsets(%arg7 : memref<80xi32, #tpu.memory_space<vmem>>) semaphore(%arg16 : memref<!tpu.dma_semaphore, #tpu.memory_space<semaphore_mem>>) {add = true}
      %dma_wait3A_114 = tpu.memref_slice %arg3[%add3A_64] : memref<320000xi32, #tpu.memory_space<hbm>> -> memref<80xi32, #tpu.memory_space<hbm>>
      %dma_wait3A_115 = tpu.memref_slice %arg3[%add3A_64] : memref<320000xi32, #tpu.memory_space<hbm>> -> memref<80xi32, #tpu.memory_space<hbm>>
      tpu.wait_dma2 semaphore(%arg17 : memref<!tpu.dma_semaphore, #tpu.memory_space<semaphore_mem>>) src(%dma_wait3A_115 : memref<80xi32, #tpu.memory_space<hbm>>) dst(%arg8 : memref<80xi32, #tpu.memory_space<vmem>>)
      %dma_wait3A_116 = arith.constant 0 : i32
      %dma_wait3A_117 = tpu.memref_slice %arg2[%add3A_64, %dma_wait3A_116] : memref<320000x128xf32, #tpu.memory_space<hbm>> -> memref<80x128xf32, #tpu.memory_space<hbm>>
      %dma_wait3A_118 = arith.constant 0 : i32
      %dma_wait3A_119 = tpu.memref_slice %arg2[%add3A_64, %dma_wait3A_118] : memref<320000x128xf32, #tpu.memory_space<hbm>> -> memref<80x128xf32, #tpu.memory_space<hbm>>
      tpu.wait_dma2 semaphore(%arg17 : memref<!tpu.dma_semaphore, #tpu.memory_space<semaphore_mem>>) src(%dma_wait3A_119 : memref<80x128xf32, #tpu.memory_space<hbm>>) dst(%arg12 : memref<80x128xf32, #tpu.memory_space<vmem>>)
      %dma_start3A_120 = arith.constant 0 : i32
      %dma_start3A_121 = arith.constant 0 : i32
      %dma_start3A_122 = tpu.memref_slice %arg13[%dma_start3A_120, %dma_start3A_121] : memref<10240x128xf32, #tpu.memory_space<vmem_shared>> -> memref<10240x128xf32, #tpu.memory_space<vmem_shared>>
      tpu.enqueue_indirect_dma source(%arg12 : memref<80x128xf32, #tpu.memory_space<vmem>>) target(%dma_start3A_122 : memref<10240x128xf32, #tpu.memory_space<vmem_shared>>) offsets(%arg8 : memref<80xi32, #tpu.memory_space<vmem>>) semaphore(%arg17 : memref<!tpu.dma_semaphore, #tpu.memory_space<semaphore_mem>>) {add = true}
      %dma_wait3A_123 = arith.constant 0 : i32
      %dma_wait3A_124 = arith.constant 0 : i32
      %dma_wait3A_125 = tpu.memref_slice %arg13[%dma_wait3A_123, %dma_wait3A_124] : memref<10240x128xf32, #tpu.memory_space<vmem_shared>> -> memref<10240x128xf32, #tpu.memory_space<vmem_shared>>
      tpu.wait_indirect_dma semaphore(%arg14 : memref<!tpu.dma_semaphore, #tpu.memory_space<semaphore_mem>>) src(%arg9 : memref<80x128xf32, #tpu.memory_space<vmem>>) dst(%dma_wait3A_125 : memref<10240x128xf32, #tpu.memory_space<vmem_shared>>)
      %dma_wait3A_126 = arith.constant 0 : i32
      %dma_wait3A_127 = arith.constant 0 : i32
      %dma_wait3A_128 = tpu.memref_slice %arg13[%dma_wait3A_126, %dma_wait3A_127] : memref<10240x128xf32, #tpu.memory_space<vmem_shared>> -> memref<10240x128xf32, #tpu.memory_space<vmem_shared>>
      tpu.wait_indirect_dma semaphore(%arg15 : memref<!tpu.dma_semaphore, #tpu.memory_space<semaphore_mem>>) src(%arg10 : memref<80x128xf32, #tpu.memory_space<vmem>>) dst(%dma_wait3A_128 : memref<10240x128xf32, #tpu.memory_space<vmem_shared>>)
      %dma_wait3A_129 = arith.constant 0 : i32
      %dma_wait3A_130 = arith.constant 0 : i32
      %dma_wait3A_131 = tpu.memref_slice %arg13[%dma_wait3A_129, %dma_wait3A_130] : memref<10240x128xf32, #tpu.memory_space<vmem_shared>> -> memref<10240x128xf32, #tpu.memory_space<vmem_shared>>
      tpu.wait_indirect_dma semaphore(%arg16 : memref<!tpu.dma_semaphore, #tpu.memory_space<semaphore_mem>>) src(%arg11 : memref<80x128xf32, #tpu.memory_space<vmem>>) dst(%dma_wait3A_131 : memref<10240x128xf32, #tpu.memory_space<vmem_shared>>)
      %dma_wait3A_132 = arith.constant 0 : i32
      %dma_wait3A_133 = arith.constant 0 : i32
      %dma_wait3A_134 = tpu.memref_slice %arg13[%dma_wait3A_132, %dma_wait3A_133] : memref<10240x128xf32, #tpu.memory_space<vmem_shared>> -> memref<10240x128xf32, #tpu.memory_space<vmem_shared>>
      tpu.wait_indirect_dma semaphore(%arg17 : memref<!tpu.dma_semaphore, #tpu.memory_space<semaphore_mem>>) src(%arg12 : memref<80x128xf32, #tpu.memory_space<vmem>>) dst(%dma_wait3A_134 : memref<10240x128xf32, #tpu.memory_space<vmem_shared>>)
      %scan3A_135 = arith.constant 0 : i32
      scf.yield %scan3A_135 : i32
    }
    %scan3A_22 = arith.constant 31 : i32
    %scan3A_23 = arith.constant 0 : i32
    %scan3A_24 = arith.constant 124 : i32
    %mul3A_25 = arith.constant 80 : i32
    %mul3A_26 = arith.muli %scan3A_24, %mul3A_25 : i32
    %add3A_27 = arith.addi %mul3A_15, %mul3A_26 : i32
    "tpu.region"() ({
      %run_scoped3A = tpu.sem_alloc : memref<!tpu.dma_semaphore, #tpu.memory_space<semaphore_mem>>
      %dma_start3A = tpu.memref_slice %arg3[%add3A_27] : memref<320000xi32, #tpu.memory_space<hbm>> -> memref<80xi32, #tpu.memory_space<hbm>>
      %dma_start3A_35 = tpu.memref_slice %arg3[%add3A_27] : memref<320000xi32, #tpu.memory_space<hbm>> -> memref<80xi32, #tpu.memory_space<hbm>>
      tpu.enqueue_dma source(%dma_start3A_35 : memref<80xi32, #tpu.memory_space<hbm>>) target(%arg5 : memref<80xi32, #tpu.memory_space<vmem>>) target_semaphore(%run_scoped3A : memref<!tpu.dma_semaphore, #tpu.memory_space<semaphore_mem>>)
      %dma_wait3A = tpu.memref_slice %arg3[%add3A_27] : memref<320000xi32, #tpu.memory_space<hbm>> -> memref<80xi32, #tpu.memory_space<hbm>>
      %dma_wait3A_36 = tpu.memref_slice %arg3[%add3A_27] : memref<320000xi32, #tpu.memory_space<hbm>> -> memref<80xi32, #tpu.memory_space<hbm>>
      tpu.wait_dma2 semaphore(%run_scoped3A : memref<!tpu.dma_semaphore, #tpu.memory_space<semaphore_mem>>) src(%dma_wait3A_36 : memref<80xi32, #tpu.memory_space<hbm>>) dst(%arg5 : memref<80xi32, #tpu.memory_space<vmem>>)
      tpu.yield
    }) : () -> ()
    "tpu.region"() ({
      %run_scoped3A = tpu.sem_alloc : memref<!tpu.dma_semaphore, #tpu.memory_space<semaphore_mem>>
      %dma_start3A = arith.constant 0 : i32
      %dma_start3A_35 = tpu.memref_slice %arg2[%add3A_27, %dma_start3A] : memref<320000x128xf32, #tpu.memory_space<hbm>> -> memref<80x128xf32, #tpu.memory_space<hbm>>
      %dma_start3A_36 = arith.constant 0 : i32
      %dma_start3A_37 = tpu.memref_slice %arg2[%add3A_27, %dma_start3A_36] : memref<320000x128xf32, #tpu.memory_space<hbm>> -> memref<80x128xf32, #tpu.memory_space<hbm>>
      tpu.enqueue_dma source(%dma_start3A_37 : memref<80x128xf32, #tpu.memory_space<hbm>>) target(%arg9 : memref<80x128xf32, #tpu.memory_space<vmem>>) target_semaphore(%run_scoped3A : memref<!tpu.dma_semaphore, #tpu.memory_space<semaphore_mem>>)
      %dma_wait3A = arith.constant 0 : i32
      %dma_wait3A_38 = tpu.memref_slice %arg2[%add3A_27, %dma_wait3A] : memref<320000x128xf32, #tpu.memory_space<hbm>> -> memref<80x128xf32, #tpu.memory_space<hbm>>
      %dma_wait3A_39 = arith.constant 0 : i32
      %dma_wait3A_40 = tpu.memref_slice %arg2[%add3A_27, %dma_wait3A_39] : memref<320000x128xf32, #tpu.memory_space<hbm>> -> memref<80x128xf32, #tpu.memory_space<hbm>>
      tpu.wait_dma2 semaphore(%run_scoped3A : memref<!tpu.dma_semaphore, #tpu.memory_space<semaphore_mem>>) src(%dma_wait3A_40 : memref<80x128xf32, #tpu.memory_space<hbm>>) dst(%arg9 : memref<80x128xf32, #tpu.memory_space<vmem>>)
      tpu.yield
    }) : () -> ()
    "tpu.region"() ({
      %run_scoped3A = tpu.sem_alloc : memref<!tpu.dma_semaphore, #tpu.memory_space<semaphore_mem>>
      %dma_start3A = arith.constant 0 : i32
      %dma_start3A_35 = arith.constant 0 : i32
      %dma_start3A_36 = tpu.memref_slice %arg13[%dma_start3A, %dma_start3A_35] : memref<10240x128xf32, #tpu.memory_space<vmem_shared>> -> memref<10240x128xf32, #tpu.memory_space<vmem_shared>>
      tpu.enqueue_indirect_dma source(%arg9 : memref<80x128xf32, #tpu.memory_space<vmem>>) target(%dma_start3A_36 : memref<10240x128xf32, #tpu.memory_space<vmem_shared>>) offsets(%arg5 : memref<80xi32, #tpu.memory_space<vmem>>) semaphore(%run_scoped3A : memref<!tpu.dma_semaphore, #tpu.memory_space<semaphore_mem>>) {add = true}
      %dma_wait3A = arith.constant 0 : i32
      %dma_wait3A_37 = arith.constant 0 : i32
      %dma_wait3A_38 = tpu.memref_slice %arg13[%dma_wait3A, %dma_wait3A_37] : memref<10240x128xf32, #tpu.memory_space<vmem_shared>> -> memref<10240x128xf32, #tpu.memory_space<vmem_shared>>
      tpu.wait_indirect_dma semaphore(%run_scoped3A : memref<!tpu.dma_semaphore, #tpu.memory_space<semaphore_mem>>) src(%arg9 : memref<80x128xf32, #tpu.memory_space<vmem>>) dst(%dma_wait3A_38 : memref<10240x128xf32, #tpu.memory_space<vmem_shared>>)
      tpu.yield
    }) : () -> ()
    %scan3A_28 = arith.constant 0 : i32
    %scan3A_29 = arith.constant 1 : i32
    %barrier3A_30 = arith.constant 0 : index
    tpu.barrier barrier_id(%barrier3A_30)
    %mul3A_31 = arith.constant 640 : i32
    %mul3A_32 = arith.muli %arg1, %mul3A_31 : i32
    %mul3A_33 = arith.constant 640 : i32
    %mul3A_34 = arith.muli %arg1, %mul3A_33 : i32
    "tpu.region"() ({
      %run_scoped3A = tpu.sem_alloc : memref<!tpu.dma_semaphore, #tpu.memory_space<semaphore_mem>>
      %dma_start3A = arith.constant 0 : i32
      %dma_start3A_35 = arith.constant 0 : i32
      %dma_start3A_36 = tpu.memref_slice %arg4[%arg0, %dma_start3A, %dma_start3A_35] : memref<2x10240x128xf32, #tpu.memory_space<hbm>> -> memref<1x10240x128xf32, #tpu.memory_space<hbm>>
      %dma_start3A_37 = tpu.memref_squeeze %dma_start3A_36 : memref<1x10240x128xf32, #tpu.memory_space<hbm>> -> memref<10240x128xf32, #tpu.memory_space<hbm>>
      %dma_start3A_38 = arith.constant 0 : i32
      %dma_start3A_39 = tpu.memref_slice %dma_start3A_37[%mul3A_34, %dma_start3A_38] : memref<10240x128xf32, #tpu.memory_space<hbm>> -> memref<640x128xf32, #tpu.memory_space<hbm>>
      %dma_start3A_40 = arith.constant 0 : i32
      %dma_start3A_41 = tpu.memref_slice %arg13[%mul3A_32, %dma_start3A_40] : memref<10240x128xf32, #tpu.memory_space<vmem_shared>> -> memref<640x128xf32, #tpu.memory_space<vmem_shared>>
      tpu.enqueue_dma source(%dma_start3A_41 : memref<640x128xf32, #tpu.memory_space<vmem_shared>>) target(%dma_start3A_39 : memref<640x128xf32, #tpu.memory_space<hbm>>) target_semaphore(%run_scoped3A : memref<!tpu.dma_semaphore, #tpu.memory_space<semaphore_mem>>)
      %dma_wait3A = arith.constant 0 : i32
      %dma_wait3A_42 = arith.constant 0 : i32
      %dma_wait3A_43 = tpu.memref_slice %arg4[%arg0, %dma_wait3A, %dma_wait3A_42] : memref<2x10240x128xf32, #tpu.memory_space<hbm>> -> memref<1x10240x128xf32, #tpu.memory_space<hbm>>
      %dma_wait3A_44 = tpu.memref_squeeze %dma_wait3A_43 : memref<1x10240x128xf32, #tpu.memory_space<hbm>> -> memref<10240x128xf32, #tpu.memory_space<hbm>>
      %dma_wait3A_45 = arith.constant 0 : i32
      %dma_wait3A_46 = tpu.memref_slice %dma_wait3A_44[%mul3A_34, %dma_wait3A_45] : memref<10240x128xf32, #tpu.memory_space<hbm>> -> memref<640x128xf32, #tpu.memory_space<hbm>>
      %dma_wait3A_47 = arith.constant 0 : i32
      %dma_wait3A_48 = tpu.memref_slice %arg13[%mul3A_32, %dma_wait3A_47] : memref<10240x128xf32, #tpu.memory_space<vmem_shared>> -> memref<640x128xf32, #tpu.memory_space<vmem_shared>>
      tpu.wait_dma2 semaphore(%run_scoped3A : memref<!tpu.dma_semaphore, #tpu.memory_space<semaphore_mem>>) src(%dma_wait3A_48 : memref<640x128xf32, #tpu.memory_space<vmem_shared>>) dst(%dma_wait3A_46 : memref<640x128xf32, #tpu.memory_space<hbm>>)
      tpu.yield
    }) : () -> ()
    return
  }
}

module attributes {stable_mosaic.version = 14 : i64} {
  func.func @_edge_x_body(%arg0: i32, %arg1: memref<2000x128xf32, #tpu.memory_space<vmem>>, %arg2: memref<2000x16xf32, #tpu.memory_space<vmem>>, %arg3: memref<16x128xf32, #tpu.memory_space<vmem>>, %arg4: memref<2000x128xf32, #tpu.memory_space<vmem>>) attributes {dimension_semantics = [#tpu.dimension_semantics<arbitrary>], iteration_bounds = array<i64: 160>, scalar_prefetch = 0 : i64, scratch_operands = 0 : i64, tpu.core_type = #tpu.core_type<tc>, window_params = [{transform_indices = @transform_0, window_bounds = array<i64: 2000, 128>}, {transform_indices = @transform_1, window_bounds = array<i64: 2000, 16>}, {pipeline_mode = #tpu.pipeline_mode<synchronous>, transform_indices = @transform_2, window_bounds = array<i64: 16, 128>}, {transform_indices = @transform_3, window_bounds = array<i64: 2000, 128>}]} {
    %get3A = arith.constant 0 : index
    %get3A_0 = arith.constant 0 : index
    %get3A_1 = vector.load %arg1[%get3A, %get3A_0] : memref<2000x128xf32, #tpu.memory_space<vmem>>, vector<2000x128xf32>
    %get3A_2 = arith.constant 0 : index
    %get3A_3 = arith.constant 0 : index
    %get3A_4 = vector.load %arg2[%get3A_2, %get3A_3] : memref<2000x16xf32, #tpu.memory_space<vmem>>, vector<2000x16xf32>
    %get3A_5 = arith.constant 0 : index
    %get3A_6 = arith.constant 0 : index
    %get3A_7 = vector.load %arg3[%get3A_5, %get3A_6] : memref<16x128xf32, #tpu.memory_space<vmem>>, vector<16x128xf32>
    %dot_general3A = arith.constant dense<0.000000e+00> : vector<2000x128xf32>
    %dot_general3A_8 = tpu.matmul %get3A_4, %get3A_7, %dot_general3A {dimension_numbers = #tpu.dot_dimension_numbers<[1], [0], [0], [1], [0, 0, 1, 1], [], []>, transpose_lhs_hint = false} : vector<2000x16xf32>, vector<16x128xf32>, vector<2000x128xf32> -> vector<2000x128xf32>
    %mul3A = arith.mulf %get3A_1, %dot_general3A_8 : vector<2000x128xf32>
    %swap3A = arith.constant 0 : index
    %swap3A_9 = arith.constant 0 : index
    %swap3A_10 = vector.load %arg4[%swap3A, %swap3A_9] : memref<2000x128xf32, #tpu.memory_space<vmem>>, vector<2000x128xf32>
    tpu.vector_store %arg4[%swap3A, %swap3A_9], %mul3A {strides = array<i32>} : memref<2000x128xf32, #tpu.memory_space<vmem>>, vector<2000x128xf32>,
    return
  }
  func.func @transform_0(%arg0: i32) -> (i32, i32) {
    %c0_i32 = arith.constant 0 : i32
    %c0_i32_0 = arith.constant 0 : i32
    return %arg0, %c0_i32 : i32, i32
  }
  func.func @transform_1(%arg0: i32) -> (i32, i32) {
    %c0_i32 = arith.constant 0 : i32
    %c0_i32_0 = arith.constant 0 : i32
    return %arg0, %c0_i32 : i32, i32
  }
  func.func @transform_2(%arg0: i32) -> (i32, i32) {
    %c0_i32 = arith.constant 0 : i32
    %c0_i32_0 = arith.constant 0 : i32
    %c0_i32_1 = arith.constant 0 : i32
    return %c0_i32, %c0_i32_0 : i32, i32
  }
  func.func @transform_3(%arg0: i32) -> (i32, i32) {
    %c0_i32 = arith.constant 0 : i32
    %c0_i32_0 = arith.constant 0 : i32
    return %arg0, %c0_i32 : i32, i32
  }
}

module attributes {stable_mosaic.version = 14 : i64} {
  func.func @_edge_pq_body(%arg0: i32, %arg1: memref<2000x128xf32, #tpu.memory_space<vmem>>, %arg2: memref<2000x16xf32, #tpu.memory_space<vmem>>, %arg3: memref<128x128xf32, #tpu.memory_space<vmem>>, %arg4: memref<16x128xf32, #tpu.memory_space<vmem>>, %arg5: memref<2000x128xf32, #tpu.memory_space<vmem>>) attributes {dimension_semantics = [#tpu.dimension_semantics<arbitrary>], iteration_bounds = array<i64: 160>, scalar_prefetch = 0 : i64, scratch_operands = 0 : i64, tpu.core_type = #tpu.core_type<tc>, window_params = [{transform_indices = @transform_0, window_bounds = array<i64: 2000, 128>}, {transform_indices = @transform_1, window_bounds = array<i64: 2000, 16>}, {pipeline_mode = #tpu.pipeline_mode<synchronous>, transform_indices = @transform_2, window_bounds = array<i64: 128, 128>}, {pipeline_mode = #tpu.pipeline_mode<synchronous>, transform_indices = @transform_3, window_bounds = array<i64: 16, 128>}, {transform_indices = @transform_4, window_bounds = array<i64: 2000, 128>}]} {
    %get3A = arith.constant 0 : index
    %get3A_0 = arith.constant 0 : index
    %get3A_1 = vector.load %arg1[%get3A, %get3A_0] : memref<2000x128xf32, #tpu.memory_space<vmem>>, vector<2000x128xf32>
    %get3A_2 = arith.constant 0 : index
    %get3A_3 = arith.constant 0 : index
    %get3A_4 = vector.load %arg3[%get3A_2, %get3A_3] : memref<128x128xf32, #tpu.memory_space<vmem>>, vector<128x128xf32>
    %dot_general3A = arith.constant dense<0.000000e+00> : vector<2000x128xf32>
    %dot_general3A_5 = tpu.matmul %get3A_1, %get3A_4, %dot_general3A {dimension_numbers = #tpu.dot_dimension_numbers<[1], [0], [0], [1], [0, 0, 1, 1], [], []>, transpose_lhs_hint = false} : vector<2000x128xf32>, vector<128x128xf32>, vector<2000x128xf32> -> vector<2000x128xf32>
    %get3A_6 = arith.constant 0 : index
    %get3A_7 = arith.constant 0 : index
    %get3A_8 = vector.load %arg2[%get3A_6, %get3A_7] : memref<2000x16xf32, #tpu.memory_space<vmem>>, vector<2000x16xf32>
    %get3A_9 = arith.constant 0 : index
    %get3A_10 = arith.constant 0 : index
    %get3A_11 = vector.load %arg4[%get3A_9, %get3A_10] : memref<16x128xf32, #tpu.memory_space<vmem>>, vector<16x128xf32>
    %dot_general3A_12 = arith.constant dense<0.000000e+00> : vector<2000x128xf32>
    %dot_general3A_13 = tpu.matmul %get3A_8, %get3A_11, %dot_general3A_12 {dimension_numbers = #tpu.dot_dimension_numbers<[1], [0], [0], [1], [0, 0, 1, 1], [], []>, transpose_lhs_hint = false} : vector<2000x16xf32>, vector<16x128xf32>, vector<2000x128xf32> -> vector<2000x128xf32>
    %add3A = arith.addf %dot_general3A_5, %dot_general3A_13 : vector<2000x128xf32>
    %swap3A = arith.constant 0 : index
    %swap3A_14 = arith.constant 0 : index
    %swap3A_15 = vector.load %arg5[%swap3A, %swap3A_14] : memref<2000x128xf32, #tpu.memory_space<vmem>>, vector<2000x128xf32>
    tpu.vector_store %arg5[%swap3A, %swap3A_14], %add3A {strides = array<i32>} : memref<2000x128xf32, #tpu.memory_space<vmem>>, vector<2000x128xf32>,
    return
  }
  func.func @transform_0(%arg0: i32) -> (i32, i32) {
    %c0_i32 = arith.constant 0 : i32
    %c0_i32_0 = arith.constant 0 : i32
    return %arg0, %c0_i32 : i32, i32
  }
  func.func @transform_1(%arg0: i32) -> (i32, i32) {
    %c0_i32 = arith.constant 0 : i32
    %c0_i32_0 = arith.constant 0 : i32
    return %arg0, %c0_i32 : i32, i32
  }
  func.func @transform_2(%arg0: i32) -> (i32, i32) {
    %c0_i32 = arith.constant 0 : i32
    %c0_i32_0 = arith.constant 0 : i32
    %c0_i32_1 = arith.constant 0 : i32
    return %c0_i32, %c0_i32_0 : i32, i32
  }
  func.func @transform_3(%arg0: i32) -> (i32, i32) {
    %c0_i32 = arith.constant 0 : i32
    %c0_i32_0 = arith.constant 0 : i32
    %c0_i32_1 = arith.constant 0 : i32
    return %c0_i32, %c0_i32_0 : i32, i32
  }
  func.func @transform_4(%arg0: i32) -> (i32, i32) {
    %c0_i32 = arith.constant 0 : i32
    %c0_i32_0 = arith.constant 0 : i32
    return %arg0, %c0_i32 : i32, i32
  }
}

module attributes {stable_mosaic.version = 14 : i64} {
  func.func @_force_body(%arg0: i32, %arg1: memref<2000x128xf32, #tpu.memory_space<vmem>>, %arg2: memref<2000x16xf32, #tpu.memory_space<vmem>>, %arg3: memref<128x128xf32, #tpu.memory_space<vmem>>, %arg4: memref<128x128xf32, #tpu.memory_space<vmem>>, %arg5: memref<128x128xf32, #tpu.memory_space<vmem>>, %arg6: memref<128x128xf32, #tpu.memory_space<vmem>>, %arg7: memref<128x128xf32, #tpu.memory_space<vmem>>, %arg8: memref<16x128xf32, #tpu.memory_space<vmem>>, %arg9: memref<128x1xf32, #tpu.memory_space<vmem>>, %arg10: memref<2000x1xf32, #tpu.memory_space<vmem>>) attributes {dimension_semantics = [#tpu.dimension_semantics<arbitrary>], iteration_bounds = array<i64: 160>, scalar_prefetch = 0 : i64, scratch_operands = 0 : i64, tpu.core_type = #tpu.core_type<tc>, window_params = [{transform_indices = @transform_0, window_bounds = array<i64: 2000, 128>}, {transform_indices = @transform_1, window_bounds = array<i64: 2000, 16>}, {pipeline_mode = #tpu.pipeline_mode<synchronous>, transform_indices = @transform_2, window_bounds = array<i64: 128, 128>}, {pipeline_mode = #tpu.pipeline_mode<synchronous>, transform_indices = @transform_3, window_bounds = array<i64: 128, 128>}, {pipeline_mode = #tpu.pipeline_mode<synchronous>, transform_indices = @transform_4, window_bounds = array<i64: 128, 128>}, {pipeline_mode = #tpu.pipeline_mode<synchronous>, transform_indices = @transform_5, window_bounds = array<i64: 128, 128>}, {pipeline_mode = #tpu.pipeline_mode<synchronous>, transform_indices = @transform_6, window_bounds = array<i64: 128, 128>}, {pipeline_mode = #tpu.pipeline_mode<synchronous>, transform_indices = @transform_7, window_bounds = array<i64: 16, 128>}, {pipeline_mode = #tpu.pipeline_mode<synchronous>, transform_indices = @transform_8, window_bounds = array<i64: 128, 1>}, {transform_indices = @transform_9, window_bounds = array<i64: 2000, 1>}]} {
    %get3A = arith.constant 0 : index
    %get3A_0 = arith.constant 0 : index
    %get3A_1 = vector.load %arg1[%get3A, %get3A_0] : memref<2000x128xf32, #tpu.memory_space<vmem>>, vector<2000x128xf32>
    %get3A_2 = arith.constant 0 : index
    %get3A_3 = arith.constant 0 : index
    %get3A_4 = vector.load %arg2[%get3A_2, %get3A_3] : memref<2000x16xf32, #tpu.memory_space<vmem>>, vector<2000x16xf32>
    %get3A_5 = arith.constant 0 : index
    %get3A_6 = arith.constant 0 : index
    %get3A_7 = vector.load %arg3[%get3A_5, %get3A_6] : memref<128x128xf32, #tpu.memory_space<vmem>>, vector<128x128xf32>
    %dot_general3A = arith.constant dense<0.000000e+00> : vector<2000x128xf32>
    %dot_general3A_8 = tpu.matmul %get3A_1, %get3A_7, %dot_general3A {dimension_numbers = #tpu.dot_dimension_numbers<[1], [0], [0], [1], [0, 0, 1, 1], [], []>, transpose_lhs_hint = false} : vector<2000x128xf32>, vector<128x128xf32>, vector<2000x128xf32> -> vector<2000x128xf32>
    %logistic3A = arith.negf %dot_general3A_8 : vector<2000x128xf32>
    %logistic3A_9 = math.exp %logistic3A : vector<2000x128xf32>
    %logistic3A_10 = arith.constant 1.000000e+00 : f32
    %logistic3A_11 = vector.broadcast %logistic3A_10 : f32 to vector<2000x128xf32>
    %logistic3A_12 = arith.addf %logistic3A_11, %logistic3A_9 : vector<2000x128xf32>
    %logistic3A_13 = arith.divf %logistic3A_11, %logistic3A_12 : vector<2000x128xf32>
    %mul3A = arith.mulf %dot_general3A_8, %logistic3A_13 : vector<2000x128xf32>
    %get3A_14 = arith.constant 0 : index
    %get3A_15 = arith.constant 0 : index
    %get3A_16 = vector.load %arg4[%get3A_14, %get3A_15] : memref<128x128xf32, #tpu.memory_space<vmem>>, vector<128x128xf32>
    %get3A_17 = arith.constant 0 : index
    %get3A_18 = arith.constant 0 : index
    %get3A_19 = vector.load %arg5[%get3A_17, %get3A_18] : memref<128x128xf32, #tpu.memory_space<vmem>>, vector<128x128xf32>
    %dot_general3A_20 = arith.constant dense<0.000000e+00> : vector<2000x128xf32>
    %dot_general3A_21 = tpu.matmul %mul3A, %get3A_16, %dot_general3A_20 {dimension_numbers = #tpu.dot_dimension_numbers<[1], [0], [0], [1], [0, 0, 1, 1], [], []>, transpose_lhs_hint = false} : vector<2000x128xf32>, vector<128x128xf32>, vector<2000x128xf32> -> vector<2000x128xf32>
    %logistic3A_22 = arith.negf %dot_general3A_21 : vector<2000x128xf32>
    %logistic3A_23 = math.exp %logistic3A_22 : vector<2000x128xf32>
    %logistic3A_24 = arith.constant 1.000000e+00 : f32
    %logistic3A_25 = vector.broadcast %logistic3A_24 : f32 to vector<2000x128xf32>
    %logistic3A_26 = arith.addf %logistic3A_25, %logistic3A_23 : vector<2000x128xf32>
    %logistic3A_27 = arith.divf %logistic3A_25, %logistic3A_26 : vector<2000x128xf32>
    %mul3A_28 = arith.mulf %dot_general3A_21, %logistic3A_27 : vector<2000x128xf32>
    %dot_general3A_29 = arith.constant dense<0.000000e+00> : vector<2000x128xf32>
    %dot_general3A_30 = tpu.matmul %mul3A_28, %get3A_19, %dot_general3A_29 {dimension_numbers = #tpu.dot_dimension_numbers<[1], [0], [0], [1], [0, 0, 1, 1], [], []>, transpose_lhs_hint = false} : vector<2000x128xf32>, vector<128x128xf32>, vector<2000x128xf32> -> vector<2000x128xf32>
    %logistic3A_31 = arith.negf %dot_general3A_30 : vector<2000x128xf32>
    %logistic3A_32 = math.exp %logistic3A_31 : vector<2000x128xf32>
    %logistic3A_33 = arith.constant 1.000000e+00 : f32
    %logistic3A_34 = vector.broadcast %logistic3A_33 : f32 to vector<2000x128xf32>
    %logistic3A_35 = arith.addf %logistic3A_34, %logistic3A_32 : vector<2000x128xf32>
    %logistic3A_36 = arith.divf %logistic3A_34, %logistic3A_35 : vector<2000x128xf32>
    %mul3A_37 = arith.mulf %dot_general3A_30, %logistic3A_36 : vector<2000x128xf32>
    %add3A = arith.addf %mul3A, %mul3A_37 : vector<2000x128xf32>
    %mul3A_38 = arith.constant 0.707106769 : f32
    %mul3A_39 = vector.broadcast %mul3A_38 : f32 to vector<2000x128xf32>
    %mul3A_40 = arith.mulf %add3A, %mul3A_39 : vector<2000x128xf32>
    %get3A_41 = arith.constant 0 : index
    %get3A_42 = arith.constant 0 : index
    %get3A_43 = vector.load %arg6[%get3A_41, %get3A_42] : memref<128x128xf32, #tpu.memory_space<vmem>>, vector<128x128xf32>
    %get3A_44 = arith.constant 0 : index
    %get3A_45 = arith.constant 0 : index
    %get3A_46 = vector.load %arg7[%get3A_44, %get3A_45] : memref<128x128xf32, #tpu.memory_space<vmem>>, vector<128x128xf32>
    %dot_general3A_47 = arith.constant dense<0.000000e+00> : vector<2000x128xf32>
    %dot_general3A_48 = tpu.matmul %mul3A_40, %get3A_43, %dot_general3A_47 {dimension_numbers = #tpu.dot_dimension_numbers<[1], [0], [0], [1], [0, 0, 1, 1], [], []>, transpose_lhs_hint = false} : vector<2000x128xf32>, vector<128x128xf32>, vector<2000x128xf32> -> vector<2000x128xf32>
    %logistic3A_49 = arith.negf %dot_general3A_48 : vector<2000x128xf32>
    %logistic3A_50 = math.exp %logistic3A_49 : vector<2000x128xf32>
    %logistic3A_51 = arith.constant 1.000000e+00 : f32
    %logistic3A_52 = vector.broadcast %logistic3A_51 : f32 to vector<2000x128xf32>
    %logistic3A_53 = arith.addf %logistic3A_52, %logistic3A_50 : vector<2000x128xf32>
    %logistic3A_54 = arith.divf %logistic3A_52, %logistic3A_53 : vector<2000x128xf32>
    %mul3A_55 = arith.mulf %dot_general3A_48, %logistic3A_54 : vector<2000x128xf32>
    %dot_general3A_56 = arith.constant dense<0.000000e+00> : vector<2000x128xf32>
    %dot_general3A_57 = tpu.matmul %mul3A_55, %get3A_46, %dot_general3A_56 {dimension_numbers = #tpu.dot_dimension_numbers<[1], [0], [0], [1], [0, 0, 1, 1], [], []>, transpose_lhs_hint = false} : vector<2000x128xf32>, vector<128x128xf32>, vector<2000x128xf32> -> vector<2000x128xf32>
    %logistic3A_58 = arith.negf %dot_general3A_57 : vector<2000x128xf32>
    %logistic3A_59 = math.exp %logistic3A_58 : vector<2000x128xf32>
    %logistic3A_60 = arith.constant 1.000000e+00 : f32
    %logistic3A_61 = vector.broadcast %logistic3A_60 : f32 to vector<2000x128xf32>
    %logistic3A_62 = arith.addf %logistic3A_61, %logistic3A_59 : vector<2000x128xf32>
    %logistic3A_63 = arith.divf %logistic3A_61, %logistic3A_62 : vector<2000x128xf32>
    %mul3A_64 = arith.mulf %dot_general3A_57, %logistic3A_63 : vector<2000x128xf32>
    %add3A_65 = arith.addf %mul3A_40, %mul3A_64 : vector<2000x128xf32>
    %mul3A_66 = arith.constant 0.707106769 : f32
    %mul3A_67 = vector.broadcast %mul3A_66 : f32 to vector<2000x128xf32>
    %mul3A_68 = arith.mulf %add3A_65, %mul3A_67 : vector<2000x128xf32>
    %get3A_69 = arith.constant 0 : index
    %get3A_70 = arith.constant 0 : index
    %get3A_71 = vector.load %arg8[%get3A_69, %get3A_70] : memref<16x128xf32, #tpu.memory_space<vmem>>, vector<16x128xf32>
    %dot_general3A_72 = arith.constant dense<0.000000e+00> : vector<2000x128xf32>
    %dot_general3A_73 = tpu.matmul %get3A_4, %get3A_71, %dot_general3A_72 {dimension_numbers = #tpu.dot_dimension_numbers<[1], [0], [0], [1], [0, 0, 1, 1], [], []>, transpose_lhs_hint = false} : vector<2000x16xf32>, vector<16x128xf32>, vector<2000x128xf32> -> vector<2000x128xf32>
    %mul3A_74 = arith.mulf %mul3A_68, %dot_general3A_73 : vector<2000x128xf32>
    %get3A_75 = arith.constant 0 : index
    %get3A_76 = arith.constant 0 : index
    %get3A_77 = vector.load %arg9[%get3A_75, %get3A_76] : memref<128x1xf32, #tpu.memory_space<vmem>>, vector<128x1xf32>
    %dot_general3A_78 = arith.constant dense<0.000000e+00> : vector<2000x1xf32>
    %dot_general3A_79 = tpu.matmul %mul3A_74, %get3A_77, %dot_general3A_78 {dimension_numbers = #tpu.dot_dimension_numbers<[1], [0], [0], [1], [0, 0, 1, 1], [], []>, transpose_lhs_hint = false} : vector<2000x128xf32>, vector<128x1xf32>, vector<2000x1xf32> -> vector<2000x1xf32>
    %swap3A = arith.constant 0 : index
    %swap3A_80 = arith.constant 0 : index
    %swap3A_81 = vector.load %arg10[%swap3A, %swap3A_80] : memref<2000x1xf32, #tpu.memory_space<vmem>>, vector<2000x1xf32>
    tpu.vector_store %arg10[%swap3A, %swap3A_80], %dot_general3A_79 {strides = array<i32>} : memref<2000x1xf32, #tpu.memory_space<vmem>>, vector<2000x1xf32>,
    return
  }
  func.func @transform_0(%arg0: i32) -> (i32, i32) {
    %c0_i32 = arith.constant 0 : i32
    %c0_i32_0 = arith.constant 0 : i32
    return %arg0, %c0_i32 : i32, i32
  }
  func.func @transform_1(%arg0: i32) -> (i32, i32) {
    %c0_i32 = arith.constant 0 : i32
    %c0_i32_0 = arith.constant 0 : i32
    return %arg0, %c0_i32 : i32, i32
  }
  func.func @transform_2(%arg0: i32) -> (i32, i32) {
    %c0_i32 = arith.constant 0 : i32
    %c0_i32_0 = arith.constant 0 : i32
    %c0_i32_1 = arith.constant 0 : i32
    return %c0_i32, %c0_i32_0 : i32, i32
  }
  func.func @transform_3(%arg0: i32) -> (i32, i32) {
    %c0_i32 = arith.constant 0 : i32
    %c0_i32_0 = arith.constant 0 : i32
    %c0_i32_1 = arith.constant 0 : i32
    return %c0_i32, %c0_i32_0 : i32, i32
  }
  func.func @transform_4(%arg0: i32) -> (i32, i32) {
    %c0_i32 = arith.constant 0 : i32
    %c0_i32_0 = arith.constant 0 : i32
    %c0_i32_1 = arith.constant 0 : i32
    return %c0_i32, %c0_i32_0 : i32, i32
  }
  func.func @transform_5(%arg0: i32) -> (i32, i32) {
    %c0_i32 = arith.constant 0 : i32
    %c0_i32_0 = arith.constant 0 : i32
    %c0_i32_1 = arith.constant 0 : i32
    return %c0_i32, %c0_i32_0 : i32, i32
  }
  func.func @transform_6(%arg0: i32) -> (i32, i32) {
    %c0_i32 = arith.constant 0 : i32
    %c0_i32_0 = arith.constant 0 : i32
    %c0_i32_1 = arith.constant 0 : i32
    return %c0_i32, %c0_i32_0 : i32, i32
  }
  func.func @transform_7(%arg0: i32) -> (i32, i32) {
    %c0_i32 = arith.constant 0 : i32
    %c0_i32_0 = arith.constant 0 : i32
    %c0_i32_1 = arith.constant 0 : i32
    return %c0_i32, %c0_i32_0 : i32, i32
  }
  func.func @transform_8(%arg0: i32) -> (i32, i32) {
    %c0_i32 = arith.constant 0 : i32
    %c0_i32_0 = arith.constant 0 : i32
    %c0_i32_1 = arith.constant 0 : i32
    return %c0_i32, %c0_i32_0 : i32, i32
  }
  func.func @transform_9(%arg0: i32) -> (i32, i32) {
    %c0_i32 = arith.constant 0 : i32
    %c0_i32_0 = arith.constant 0 : i32
    return %arg0, %c0_i32 : i32, i32
  }
}

module attributes {stable_mosaic.version = 14 : i64} {
  func.func @_atom_body(%arg0: i32, %arg1: memref<1280x128xf32, #tpu.memory_space<vmem>>, %arg2: memref<1280x128xf32, #tpu.memory_space<vmem>>, %arg3: memref<128x128xf32, #tpu.memory_space<vmem>>, %arg4: memref<128x128xf32, #tpu.memory_space<vmem>>, %arg5: memref<128x128xf32, #tpu.memory_space<vmem>>, %arg6: memref<128x128xf32, #tpu.memory_space<vmem>>, %arg7: memref<128x128xf32, #tpu.memory_space<vmem>>, %arg8: memref<128x1xf32, #tpu.memory_space<vmem>>, %arg9: memref<1280x1xf32, #tpu.memory_space<vmem>>) attributes {dimension_semantics = [#tpu.dimension_semantics<arbitrary>], iteration_bounds = array<i64: 8>, scalar_prefetch = 0 : i64, scratch_operands = 0 : i64, tpu.core_type = #tpu.core_type<tc>, window_params = [{transform_indices = @transform_0, window_bounds = array<i64: 1280, 128>}, {transform_indices = @transform_1, window_bounds = array<i64: 1280, 128>}, {pipeline_mode = #tpu.pipeline_mode<synchronous>, transform_indices = @transform_2, window_bounds = array<i64: 128, 128>}, {pipeline_mode = #tpu.pipeline_mode<synchronous>, transform_indices = @transform_3, window_bounds = array<i64: 128, 128>}, {pipeline_mode = #tpu.pipeline_mode<synchronous>, transform_indices = @transform_4, window_bounds = array<i64: 128, 128>}, {pipeline_mode = #tpu.pipeline_mode<synchronous>, transform_indices = @transform_5, window_bounds = array<i64: 128, 128>}, {pipeline_mode = #tpu.pipeline_mode<synchronous>, transform_indices = @transform_6, window_bounds = array<i64: 128, 128>}, {pipeline_mode = #tpu.pipeline_mode<synchronous>, transform_indices = @transform_7, window_bounds = array<i64: 128, 1>}, {transform_indices = @transform_8, window_bounds = array<i64: 1280, 1>}]} {
    %get3A = arith.constant 0 : index
    %get3A_0 = arith.constant 0 : index
    %get3A_1 = vector.load %arg1[%get3A, %get3A_0] : memref<1280x128xf32, #tpu.memory_space<vmem>>, vector<1280x128xf32>
    %get3A_2 = arith.constant 0 : index
    %get3A_3 = arith.constant 0 : index
    %get3A_4 = vector.load %arg2[%get3A_2, %get3A_3] : memref<1280x128xf32, #tpu.memory_space<vmem>>, vector<1280x128xf32>
    %add3A = arith.addf %get3A_1, %get3A_4 : vector<1280x128xf32>
    %get3A_5 = arith.constant 0 : index
    %get3A_6 = arith.constant 0 : index
    %get3A_7 = vector.load %arg3[%get3A_5, %get3A_6] : memref<128x128xf32, #tpu.memory_space<vmem>>, vector<128x128xf32>
    %dot_general3A = arith.constant dense<0.000000e+00> : vector<1280x128xf32>
    %dot_general3A_8 = tpu.matmul %add3A, %get3A_7, %dot_general3A {dimension_numbers = #tpu.dot_dimension_numbers<[1], [0], [0], [1], [0, 0, 1, 1], [], []>, transpose_lhs_hint = false} : vector<1280x128xf32>, vector<128x128xf32>, vector<1280x128xf32> -> vector<1280x128xf32>
    %logistic3A = arith.negf %dot_general3A_8 : vector<1280x128xf32>
    %logistic3A_9 = math.exp %logistic3A : vector<1280x128xf32>
    %logistic3A_10 = arith.constant 1.000000e+00 : f32
    %logistic3A_11 = vector.broadcast %logistic3A_10 : f32 to vector<1280x128xf32>
    %logistic3A_12 = arith.addf %logistic3A_11, %logistic3A_9 : vector<1280x128xf32>
    %logistic3A_13 = arith.divf %logistic3A_11, %logistic3A_12 : vector<1280x128xf32>
    %mul3A = arith.mulf %dot_general3A_8, %logistic3A_13 : vector<1280x128xf32>
    %get3A_14 = arith.constant 0 : index
    %get3A_15 = arith.constant 0 : index
    %get3A_16 = vector.load %arg4[%get3A_14, %get3A_15] : memref<128x128xf32, #tpu.memory_space<vmem>>, vector<128x128xf32>
    %get3A_17 = arith.constant 0 : index
    %get3A_18 = arith.constant 0 : index
    %get3A_19 = vector.load %arg5[%get3A_17, %get3A_18] : memref<128x128xf32, #tpu.memory_space<vmem>>, vector<128x128xf32>
    %dot_general3A_20 = arith.constant dense<0.000000e+00> : vector<1280x128xf32>
    %dot_general3A_21 = tpu.matmul %mul3A, %get3A_16, %dot_general3A_20 {dimension_numbers = #tpu.dot_dimension_numbers<[1], [0], [0], [1], [0, 0, 1, 1], [], []>, transpose_lhs_hint = false} : vector<1280x128xf32>, vector<128x128xf32>, vector<1280x128xf32> -> vector<1280x128xf32>
    %logistic3A_22 = arith.negf %dot_general3A_21 : vector<1280x128xf32>
    %logistic3A_23 = math.exp %logistic3A_22 : vector<1280x128xf32>
    %logistic3A_24 = arith.constant 1.000000e+00 : f32
    %logistic3A_25 = vector.broadcast %logistic3A_24 : f32 to vector<1280x128xf32>
    %logistic3A_26 = arith.addf %logistic3A_25, %logistic3A_23 : vector<1280x128xf32>
    %logistic3A_27 = arith.divf %logistic3A_25, %logistic3A_26 : vector<1280x128xf32>
    %mul3A_28 = arith.mulf %dot_general3A_21, %logistic3A_27 : vector<1280x128xf32>
    %dot_general3A_29 = arith.constant dense<0.000000e+00> : vector<1280x128xf32>
    %dot_general3A_30 = tpu.matmul %mul3A_28, %get3A_19, %dot_general3A_29 {dimension_numbers = #tpu.dot_dimension_numbers<[1], [0], [0], [1], [0, 0, 1, 1], [], []>, transpose_lhs_hint = false} : vector<1280x128xf32>, vector<128x128xf32>, vector<1280x128xf32> -> vector<1280x128xf32>
    %logistic3A_31 = arith.negf %dot_general3A_30 : vector<1280x128xf32>
    %logistic3A_32 = math.exp %logistic3A_31 : vector<1280x128xf32>
    %logistic3A_33 = arith.constant 1.000000e+00 : f32
    %logistic3A_34 = vector.broadcast %logistic3A_33 : f32 to vector<1280x128xf32>
    %logistic3A_35 = arith.addf %logistic3A_34, %logistic3A_32 : vector<1280x128xf32>
    %logistic3A_36 = arith.divf %logistic3A_34, %logistic3A_35 : vector<1280x128xf32>
    %mul3A_37 = arith.mulf %dot_general3A_30, %logistic3A_36 : vector<1280x128xf32>
    %add3A_38 = arith.addf %mul3A, %mul3A_37 : vector<1280x128xf32>
    %mul3A_39 = arith.constant 0.707106769 : f32
    %mul3A_40 = vector.broadcast %mul3A_39 : f32 to vector<1280x128xf32>
    %mul3A_41 = arith.mulf %add3A_38, %mul3A_40 : vector<1280x128xf32>
    %get3A_42 = arith.constant 0 : index
    %get3A_43 = arith.constant 0 : index
    %get3A_44 = vector.load %arg6[%get3A_42, %get3A_43] : memref<128x128xf32, #tpu.memory_space<vmem>>, vector<128x128xf32>
    %get3A_45 = arith.constant 0 : index
    %get3A_46 = arith.constant 0 : index
    %get3A_47 = vector.load %arg7[%get3A_45, %get3A_46] : memref<128x128xf32, #tpu.memory_space<vmem>>, vector<128x128xf32>
    %dot_general3A_48 = arith.constant dense<0.000000e+00> : vector<1280x128xf32>
    %dot_general3A_49 = tpu.matmul %mul3A_41, %get3A_44, %dot_general3A_48 {dimension_numbers = #tpu.dot_dimension_numbers<[1], [0], [0], [1], [0, 0, 1, 1], [], []>, transpose_lhs_hint = false} : vector<1280x128xf32>, vector<128x128xf32>, vector<1280x128xf32> -> vector<1280x128xf32>
    %logistic3A_50 = arith.negf %dot_general3A_49 : vector<1280x128xf32>
    %logistic3A_51 = math.exp %logistic3A_50 : vector<1280x128xf32>
    %logistic3A_52 = arith.constant 1.000000e+00 : f32
    %logistic3A_53 = vector.broadcast %logistic3A_52 : f32 to vector<1280x128xf32>
    %logistic3A_54 = arith.addf %logistic3A_53, %logistic3A_51 : vector<1280x128xf32>
    %logistic3A_55 = arith.divf %logistic3A_53, %logistic3A_54 : vector<1280x128xf32>
    %mul3A_56 = arith.mulf %dot_general3A_49, %logistic3A_55 : vector<1280x128xf32>
    %dot_general3A_57 = arith.constant dense<0.000000e+00> : vector<1280x128xf32>
    %dot_general3A_58 = tpu.matmul %mul3A_56, %get3A_47, %dot_general3A_57 {dimension_numbers = #tpu.dot_dimension_numbers<[1], [0], [0], [1], [0, 0, 1, 1], [], []>, transpose_lhs_hint = false} : vector<1280x128xf32>, vector<128x128xf32>, vector<1280x128xf32> -> vector<1280x128xf32>
    %logistic3A_59 = arith.negf %dot_general3A_58 : vector<1280x128xf32>
    %logistic3A_60 = math.exp %logistic3A_59 : vector<1280x128xf32>
    %logistic3A_61 = arith.constant 1.000000e+00 : f32
    %logistic3A_62 = vector.broadcast %logistic3A_61 : f32 to vector<1280x128xf32>
    %logistic3A_63 = arith.addf %logistic3A_62, %logistic3A_60 : vector<1280x128xf32>
    %logistic3A_64 = arith.divf %logistic3A_62, %logistic3A_63 : vector<1280x128xf32>
    %mul3A_65 = arith.mulf %dot_general3A_58, %logistic3A_64 : vector<1280x128xf32>
    %add3A_66 = arith.addf %mul3A_41, %mul3A_65 : vector<1280x128xf32>
    %mul3A_67 = arith.constant 0.707106769 : f32
    %mul3A_68 = vector.broadcast %mul3A_67 : f32 to vector<1280x128xf32>
    %mul3A_69 = arith.mulf %add3A_66, %mul3A_68 : vector<1280x128xf32>
    %get3A_70 = arith.constant 0 : index
    %get3A_71 = arith.constant 0 : index
    %get3A_72 = vector.load %arg8[%get3A_70, %get3A_71] : memref<128x1xf32, #tpu.memory_space<vmem>>, vector<128x1xf32>
    %dot_general3A_73 = arith.constant dense<0.000000e+00> : vector<1280x1xf32>
    %dot_general3A_74 = tpu.matmul %mul3A_69, %get3A_72, %dot_general3A_73 {dimension_numbers = #tpu.dot_dimension_numbers<[1], [0], [0], [1], [0, 0, 1, 1], [], []>, transpose_lhs_hint = false} : vector<1280x128xf32>, vector<128x1xf32>, vector<1280x1xf32> -> vector<1280x1xf32>
    %swap3A = arith.constant 0 : index
    %swap3A_75 = arith.constant 0 : index
    %swap3A_76 = vector.load %arg9[%swap3A, %swap3A_75] : memref<1280x1xf32, #tpu.memory_space<vmem>>, vector<1280x1xf32>
    tpu.vector_store %arg9[%swap3A, %swap3A_75], %dot_general3A_74 {strides = array<i32>} : memref<1280x1xf32, #tpu.memory_space<vmem>>, vector<1280x1xf32>,
    return
  }
  func.func @transform_0(%arg0: i32) -> (i32, i32) {
    %c0_i32 = arith.constant 0 : i32
    %c0_i32_0 = arith.constant 0 : i32
    return %arg0, %c0_i32 : i32, i32
  }
  func.func @transform_1(%arg0: i32) -> (i32, i32) {
    %c0_i32 = arith.constant 0 : i32
    %c0_i32_0 = arith.constant 0 : i32
    return %arg0, %c0_i32 : i32, i32
  }
  func.func @transform_2(%arg0: i32) -> (i32, i32) {
    %c0_i32 = arith.constant 0 : i32
    %c0_i32_0 = arith.constant 0 : i32
    %c0_i32_1 = arith.constant 0 : i32
    return %c0_i32, %c0_i32_0 : i32, i32
  }
  func.func @transform_3(%arg0: i32) -> (i32, i32) {
    %c0_i32 = arith.constant 0 : i32
    %c0_i32_0 = arith.constant 0 : i32
    %c0_i32_1 = arith.constant 0 : i32
    return %c0_i32, %c0_i32_0 : i32, i32
  }
  func.func @transform_4(%arg0: i32) -> (i32, i32) {
    %c0_i32 = arith.constant 0 : i32
    %c0_i32_0 = arith.constant 0 : i32
    %c0_i32_1 = arith.constant 0 : i32
    return %c0_i32, %c0_i32_0 : i32, i32
  }
  func.func @transform_5(%arg0: i32) -> (i32, i32) {
    %c0_i32 = arith.constant 0 : i32
    %c0_i32_0 = arith.constant 0 : i32
    %c0_i32_1 = arith.constant 0 : i32
    return %c0_i32, %c0_i32_0 : i32, i32
  }
  func.func @transform_6(%arg0: i32) -> (i32, i32) {
    %c0_i32 = arith.constant 0 : i32
    %c0_i32_0 = arith.constant 0 : i32
    %c0_i32_1 = arith.constant 0 : i32
    return %c0_i32, %c0_i32_0 : i32, i32
  }
  func.func @transform_7(%arg0: i32) -> (i32, i32) {
    %c0_i32 = arith.constant 0 : i32
    %c0_i32_0 = arith.constant 0 : i32
    %c0_i32_1 = arith.constant 0 : i32
    return %c0_i32, %c0_i32_0 : i32, i32
  }
  func.func @transform_8(%arg0: i32) -> (i32, i32) {
    %c0_i32 = arith.constant 0 : i32
    %c0_i32_0 = arith.constant 0 : i32
    return %arg0, %c0_i32 : i32, i32
  }
}

module attributes {stable_mosaic.version = 14 : i64} {
  func.func @_trip_body(%arg0: i32, %arg1: memref<2000x128xf32, #tpu.memory_space<vmem>>, %arg2: memref<2000x32xf32, #tpu.memory_space<vmem>>, %arg3: memref<32x128xf32, #tpu.memory_space<vmem>>, %arg4: memref<128x128xf32, #tpu.memory_space<vmem>>, %arg5: memref<128x12xf32, #tpu.memory_space<vmem>>, %arg6: memref<2000x12xf32, #tpu.memory_space<vmem>>) attributes {dimension_semantics = [#tpu.dimension_semantics<arbitrary>], iteration_bounds = array<i64: 125>, scalar_prefetch = 0 : i64, scratch_operands = 0 : i64, tpu.core_type = #tpu.core_type<tc>, window_params = [{transform_indices = @transform_0, window_bounds = array<i64: 2000, 128>}, {transform_indices = @transform_1, window_bounds = array<i64: 2000, 32>}, {pipeline_mode = #tpu.pipeline_mode<synchronous>, transform_indices = @transform_2, window_bounds = array<i64: 32, 128>}, {pipeline_mode = #tpu.pipeline_mode<synchronous>, transform_indices = @transform_3, window_bounds = array<i64: 128, 128>}, {pipeline_mode = #tpu.pipeline_mode<synchronous>, transform_indices = @transform_4, window_bounds = array<i64: 128, 12>}, {transform_indices = @transform_5, window_bounds = array<i64: 2000, 12>}]} {
    %get3A = arith.constant 0 : index
    %get3A_0 = arith.constant 0 : index
    %get3A_1 = vector.load %arg1[%get3A, %get3A_0] : memref<2000x128xf32, #tpu.memory_space<vmem>>, vector<2000x128xf32>
    %get3A_2 = arith.constant 0 : index
    %get3A_3 = arith.constant 0 : index
    %get3A_4 = vector.load %arg2[%get3A_2, %get3A_3] : memref<2000x32xf32, #tpu.memory_space<vmem>>, vector<2000x32xf32>
    %get3A_5 = arith.constant 0 : index
    %get3A_6 = arith.constant 0 : index
    %get3A_7 = vector.load %arg3[%get3A_5, %get3A_6] : memref<32x128xf32, #tpu.memory_space<vmem>>, vector<32x128xf32>
    %dot_general3A = arith.constant dense<0.000000e+00> : vector<2000x128xf32>
    %dot_general3A_8 = tpu.matmul %get3A_4, %get3A_7, %dot_general3A {dimension_numbers = #tpu.dot_dimension_numbers<[1], [0], [0], [1], [0, 0, 1, 1], [], []>, transpose_lhs_hint = false} : vector<2000x32xf32>, vector<32x128xf32>, vector<2000x128xf32> -> vector<2000x128xf32>
    %add3A = arith.addf %get3A_1, %dot_general3A_8 : vector<2000x128xf32>
    %logistic3A = arith.negf %add3A : vector<2000x128xf32>
    %logistic3A_9 = math.exp %logistic3A : vector<2000x128xf32>
    %logistic3A_10 = arith.constant 1.000000e+00 : f32
    %logistic3A_11 = vector.broadcast %logistic3A_10 : f32 to vector<2000x128xf32>
    %logistic3A_12 = arith.addf %logistic3A_11, %logistic3A_9 : vector<2000x128xf32>
    %logistic3A_13 = arith.divf %logistic3A_11, %logistic3A_12 : vector<2000x128xf32>
    %mul3A = arith.mulf %add3A, %logistic3A_13 : vector<2000x128xf32>
    %get3A_14 = arith.constant 0 : index
    %get3A_15 = arith.constant 0 : index
    %get3A_16 = vector.load %arg4[%get3A_14, %get3A_15] : memref<128x128xf32, #tpu.memory_space<vmem>>, vector<128x128xf32>
    %dot_general3A_17 = arith.constant dense<0.000000e+00> : vector<2000x128xf32>
    %dot_general3A_18 = tpu.matmul %mul3A, %get3A_16, %dot_general3A_17 {dimension_numbers = #tpu.dot_dimension_numbers<[1], [0], [0], [1], [0, 0, 1, 1], [], []>, transpose_lhs_hint = false} : vector<2000x128xf32>, vector<128x128xf32>, vector<2000x128xf32> -> vector<2000x128xf32>
    %logistic3A_19 = arith.negf %dot_general3A_18 : vector<2000x128xf32>
    %logistic3A_20 = math.exp %logistic3A_19 : vector<2000x128xf32>
    %logistic3A_21 = arith.constant 1.000000e+00 : f32
    %logistic3A_22 = vector.broadcast %logistic3A_21 : f32 to vector<2000x128xf32>
    %logistic3A_23 = arith.addf %logistic3A_22, %logistic3A_20 : vector<2000x128xf32>
    %logistic3A_24 = arith.divf %logistic3A_22, %logistic3A_23 : vector<2000x128xf32>
    %mul3A_25 = arith.mulf %dot_general3A_18, %logistic3A_24 : vector<2000x128xf32>
    %get3A_26 = arith.constant 0 : index
    %get3A_27 = arith.constant 0 : index
    %get3A_28 = vector.load %arg5[%get3A_26, %get3A_27] : memref<128x12xf32, #tpu.memory_space<vmem>>, vector<128x12xf32>
    %dot_general3A_29 = arith.constant dense<0.000000e+00> : vector<2000x12xf32>
    %dot_general3A_30 = tpu.matmul %mul3A_25, %get3A_28, %dot_general3A_29 {dimension_numbers = #tpu.dot_dimension_numbers<[1], [0], [0], [1], [0, 0, 1, 1], [], []>, transpose_lhs_hint = false} : vector<2000x128xf32>, vector<128x12xf32>, vector<2000x12xf32> -> vector<2000x12xf32>
    %swap3A = arith.constant 0 : index
    %swap3A_31 = arith.constant 0 : index
    %swap3A_32 = vector.load %arg6[%swap3A, %swap3A_31] : memref<2000x12xf32, #tpu.memory_space<vmem>>, vector<2000x12xf32>
    tpu.vector_store %arg6[%swap3A, %swap3A_31], %dot_general3A_30 {strides = array<i32>} : memref<2000x12xf32, #tpu.memory_space<vmem>>, vector<2000x12xf32>,
    return
  }
  func.func @transform_0(%arg0: i32) -> (i32, i32) {
    %c0_i32 = arith.constant 0 : i32
    %c0_i32_0 = arith.constant 0 : i32
    return %arg0, %c0_i32 : i32, i32
  }
  func.func @transform_1(%arg0: i32) -> (i32, i32) {
    %c0_i32 = arith.constant 0 : i32
    %c0_i32_0 = arith.constant 0 : i32
    return %arg0, %c0_i32 : i32, i32
  }
  func.func @transform_2(%arg0: i32) -> (i32, i32) {
    %c0_i32 = arith.constant 0 : i32
    %c0_i32_0 = arith.constant 0 : i32
    %c0_i32_1 = arith.constant 0 : i32
    return %c0_i32, %c0_i32_0 : i32, i32
  }
  func.func @transform_3(%arg0: i32) -> (i32, i32) {
    %c0_i32 = arith.constant 0 : i32
    %c0_i32_0 = arith.constant 0 : i32
    %c0_i32_1 = arith.constant 0 : i32
    return %c0_i32, %c0_i32_0 : i32, i32
  }
  func.func @transform_4(%arg0: i32) -> (i32, i32) {
    %c0_i32 = arith.constant 0 : i32
    %c0_i32_0 = arith.constant 0 : i32
    %c0_i32_1 = arith.constant 0 : i32
    return %c0_i32, %c0_i32_0 : i32, i32
  }
  func.func @transform_5(%arg0: i32) -> (i32, i32) {
    %c0_i32 = arith.constant 0 : i32
    %c0_i32_0 = arith.constant 0 : i32
    return %arg0, %c0_i32 : i32, i32
  }
}

</mosaic_0001>

<sc_bundles>
// kernel: kernel.12.cloned.1.call-start
scs
__scs_entry_jumppad:
0x0: {  	(pc) =	sbr.rel $0x88, $3  }
0x1: {  	(tag) =	ssettag $0x0;
	lr =	simm.s32 $0x1  }
0x2: {  	[smem:$0x3F8A] =	sst lr;
	_ =	strace $0xD0000000  }
0x3: {  	_ = 	snop  }
0x4: {  	_ = 	snop  }
0x5: {  	_ = 	snop  }
0x6: {  	_ = 	snop  }
0x7: {  	_ = 	snop  }
__scs_overlays_trampoline_lowered:
0x8: {  	[smem:$0x3F99] =	sst s0  }
0x9: {  	[smem:$0x3F9A] =	sst s1  }
0xa: {  	[smem:$0x3F9B] =	sst s2  }
0xb: {  	[smem:$0x3F9C] =	sst s3  }
0xc: {  	[smem:$0x3F9D] =	sst s4  }
0xd: {  	[smem:$0x3F9E] =	sst s5  }
0xe: {  	[smem:$0x3F9F] =	sst s6  }
0xf: {  	[smem:$0x3FA0] =	sst s7  }
0x10: {  	[smem:$0x3FA1] =	sst s8  }
0x11: {  	[smem:$0x3FA2] =	sst s9;
	s0 =	simm.s32 @!p0 $0x0  }
0x12: {  	s1 =	sld [smem:$0x3F88];
	s0 =	simm.s32 @p0 $0x1  }
0x13: {  	[smem:$0x3FA3] =	sst s0;
	s0 =	simm.s32 @!p1 $0x0  }
0x14: {  	s2 =	sld [smem:$0x3F87];
	s0 =	simm.s32 @p1 $0x1  }
0x15: {  	[smem:$0x3FA4] =	sst s0;
	s0 =	simm.s32 @!p2 $0x0  }
0x16: {  	s3 =	sld [smem:$0x3FDB];
	s0 =	simm.s32 @p2 $0x1  }
0x17: {  	s4 =	simm.s32 $0x1BF5;
	[smem:$0x3FA6] =	sst s0  }
0x18: {  	s0 =	sld [smem:$0x3F89];
	_ =	swait.ge [sflag:s4], $0x0  }
0x19: {  	s7 =	sld [smem:$0x3F8A]  }
0x1a: {  	s8 =	sadd.s32 $0xFFFFE003, lr  }
0x1b: {  	s9 =	sadd.s32 $0xFFFFFEF7, lr;
	s5 =	simm.s32 $0xFFFFFFFF;
	p2 =	slt.u32 s8, $0xFFFFF086  }
0x1c: {  	p1 =	slt.u32 s9, $0xF7A;
	s5 =	simm.s32 @!p2 $0x0  }
0x1d: {  	s5 =	simm.s32 @p1 $0x1;
	p0 =	seq.s32 s7, s2  }
0x1e: {  	s7 =	smul.u32 @!p0 $0xF7A, s2;
	p2 =	seq.s32 @!p0 s5, $0x0  }
0x1f: {  	s9 =	smul.u32 $0xF7A, s1;
	s8 =	simm.s32 @!p0 $0x1BF5;
	p2 =	por !p2, p0  }
0x20: {  	[sflag:s8] =	ssyncset.s32 @!p0 $0xFFFFF086;
	s6 =	sadd.s32 @!p0 s3, s7;
	s7 =	simm.s32 @!p0 $0x108  }
0x21: {  	s3 =	sadd.s32 s3, s9;
	s6 =	sadd.s32 @!p0 $0x88, s6;
	s7 =	simm.s32 @p2 $0x1082  }
0x22: {  	[simem:s7], [sflag:s8] =	dma.local @!p0 [hbm:s6], $0xF7A  }
0x23: {  	s9 =	sor.u32 $0xD0000000, s2;
	s6 =	simm.s32 $0x108;
	_ =	swait.ge @!p0 [sflag:s8], $0x0  }
0x24: {  	s3 =	sadd.s32 $0x88, s3;
	s6 =	simm.s32 @!p1 $0x1082;
	[sflag:s4] =	ssyncset.s32 $0xFFFFF086  }
0x25: {  	[simem:s6], [sflag:s4] =	dma.local [hbm:s3], $0xF7A  }
0x26: {  	[smem:$0x3F8A] =	sst s1;
	(tag) =	ssettag s2;
	_ =	strace s9  }
0x27: {  	s1 =	sld [smem:$0x3F9A]  }
0x28: {  	s2 =	sld [smem:$0x3F9B]  }
0x29: {  	s4 =	sld [smem:$0x3F9D]  }
0x2a: {  	p0 =	seq.s32 s5, $0x0;
	s5 =	sld [smem:$0x3F9E]  }
0x2b: {  	s6 =	sld [smem:$0x3F9F]  }
0x2c: {  	s7 =	sld [smem:$0x3FA0]  }
0x2d: {  	s3 =	simm.s32 $0x108;
	s8 =	sld [smem:$0x3FA1]  }
0x2e: {  	s3 =	simm.s32 @!p0 $0x1082;
	s9 =	sld [smem:$0x3FA2]  }
0x2f: {  	lr =	sadd.s32 s0, s3;
	s0 =	sld [smem:$0x3F99]  }
0x30: {  	s3 =	sld [smem:$0x3F9C]  }
0x31: {  	[smem:$0x3FA5] =	sst s10  }
0x32: {  	s10 =	sld [smem:$0x3FA3];
	_ =	sdelay $0x3  }
0x33: {  	p0 =	seq.s32 s10, $0x1;
	s10 =	sld [smem:$0x3FA5];
	_ =	sdelay $0x3  }
0x34: {  	[smem:$0x3FA5] =	sst s10  }
0x35: {  	s10 =	sld [smem:$0x3FA4];
	_ =	sdelay $0x3  }
0x36: {  	p1 =	seq.s32 s10, $0x1;
	s10 =	sld [smem:$0x3FA5];
	_ =	sdelay $0x3  }
0x37: {  	[smem:$0x3FA5] =	sst s10  }
0x38: {  	s10 =	sld [smem:$0x3FA6]  }
0x39: {  	_ = 	snop;
	(pc) =	sbr.ind lr, $3  }
0x3a: {  	_ = 	snop  }
0x3b: {  	_ = 	snop  }
0x3c: {  	p2 =	seq.s32 s10, $0x1;
	s10 =	sld [smem:$0x3FA5]  }
0x3d: {  	_ =	shalt  }
0x3e: {  	_ =	shalt  }
0x3f: {  	_ =	shalt  }
0x40: {  	_ =	shalt  }
0x41: {  	_ =	shalt  }
0x42: {  	_ =	shalt  }
0x43: {  	_ =	shalt  }
0x44: {  	_ =	shalt  }
0x45: {  	_ =	shalt  }
0x46: {  	_ =	shalt  }
0x47: {  	_ =	shalt  }
0x48: {  	_ =	shalt  }
0x49: {  	_ =	shalt  }
0x4a: {  	_ =	shalt  }
0x4b: {  	_ =	shalt  }
0x4c: {  	_ =	shalt  }
0x4d: {  	_ =	shalt  }
0x4e: {  	_ =	shalt  }
0x4f: {  	_ =	shalt  }
0x50: {  	_ =	shalt  }
0x51: {  	_ =	shalt  }
0x52: {  	_ =	shalt  }
0x53: {  	_ =	shalt  }
0x54: {  	_ =	shalt  }
0x55: {  	_ =	shalt  }
0x56: {  	_ =	shalt  }
0x57: {  	_ =	shalt  }
0x58: {  	_ =	shalt  }
0x59: {  	_ =	shalt  }
0x5a: {  	_ =	shalt  }
0x5b: {  	_ =	shalt  }
0x5c: {  	_ =	shalt  }
0x5d: {  	_ =	shalt  }
0x5e: {  	_ =	shalt  }
0x5f: {  	_ =	shalt  }
0x60: {  	_ =	shalt  }
0x61: {  	_ =	shalt  }
0x62: {  	_ =	shalt  }
0x63: {  	_ =	shalt  }
0x64: {  	_ =	shalt  }
0x65: {  	_ =	shalt  }
0x66: {  	_ =	shalt  }
0x67: {  	_ =	shalt  }
0x68: {  	_ =	shalt  }
0x69: {  	_ =	shalt  }
0x6a: {  	_ =	shalt  }
0x6b: {  	_ =	shalt  }
0x6c: {  	_ =	shalt  }
0x6d: {  	_ =	shalt  }
0x6e: {  	_ =	shalt  }
0x6f: {  	_ =	shalt  }
0x70: {  	_ =	shalt  }
0x71: {  	_ =	shalt  }
0x72: {  	_ =	shalt  }
0x73: {  	_ =	shalt  }
0x74: {  	_ =	shalt  }
0x75: {  	_ =	shalt  }
0x76: {  	_ =	shalt  }
0x77: {  	_ =	shalt  }
0x78: {  	_ =	shalt  }
0x79: {  	_ =	shalt  }
0x7a: {  	_ =	shalt  }
0x7b: {  	_ =	shalt  }
0x7c: {  	_ =	shalt  }
0x7d: {  	_ =	shalt  }
0x7e: {  	_ =	shalt  }
0x7f: {  	_ =	shalt  }
0x80: {  	_ =	shalt  }
0x81: {  	_ =	shalt  }
0x82: {  	_ =	shalt  }
0x83: {  	_ =	shalt  }
0x84: {  	_ =	shalt  }
0x85: {  	_ =	shalt  }
0x86: {  	_ =	shalt  }
0x87: {  	_ =	shalt  }
.Lfunc_end0:
.L_simem_size_0:
called_computation.1_lowered:
.L_overlay_start_0:
0x88: {  	s2 =	sld [smem:$0x3FD9]  }
0x89: {  	s3 =	sld [smem:$0x3FFE];
	_ =	sdelay $0x1  }
0x8a: {  	s1 =	srdreg.scid  }
0x8b: {  	s0 =	sand.u32 $0x1, s1  }
0x8c: {  	s17 =	sshll.u32 s0, $0xA;
	s2 =	sadd.s32 s3, s2  }
0x8d: {  	s2 =	sadd.s32 s2, s17  }
0x8e: {  	[smem:$0x3FB1] =	sst s2  }
0x8f: {  	_ = 	snop  }
0x90: {  	(tm) =	ssettm $0x1  }
0x91: {  	s18 =	sld [smem:$0x3FFB];
	_ =	sdelay $0x3  }
0x92: {  	_ =	strace s18  }
0x93: {  	s2 =	sld [smem:$0x3FFC];
	_ =	sdelay $0x3  }
0x94: {  	_ =	strace s2  }
0x95: {  	s2 =	sld [smem:$0x3FFD];
	_ =	sdelay $0x3  }
0x96: {  	_ =	strace s2  }
0x97: {  	_ =	strace $0x8FFFFFFF  }
0x98: {  	s19 =	sld [smem:$0x3FDB];
	_ =	sdelay $0x1  }
0x99: {  	s20 =	simm.s32 $_scs_section_size  }
0x9a: {  	s4 =	simm.s32 $_size__tile_overlayer_lowered;
	s5 =	simm.s32 $_tile_overlayer_lowered  }
0x9b: {  	s6 =	simm.s32 $0x1BFF;
	s21 =	sshll.u32 s5, $0x1;
	s3 =	sadd.s32 s20, s19  }
0x9c: {  	s22 =	simm.s32 $0x0;
	s4 =	sshll.u32 s4, $0x1;
	s5 =	sadd.s32 s21, s3  }
0x9d: {  	[timem:s22], [sflag:s6] =	dma.local [hbm:s5], s4  }
0x9e: {  	_ =	swait.ge [sflag:s6], s4  }
0x9f: {  	s4 =	ssub.s32 $0x0, s4;
	[sflag:s6] =	ssyncset.done $0x0  }
0xa0: {  	[sflag:s6] =	ssyncadd.s32 s4;
	_ =	sdelay $0x1  }
0xa1: {  	s23 =	simm.s32 $0x1B8B  }
0xa2: {  	_ =	swait.ge [sflag:s23], $0x1  }
0xa3: {  	[sflag:s23] =	ssyncset.done $0x0  }
0xa4: {  	[sflag:s23] =	ssyncadd.s32 $0xFFFFFFFF  }
0xa5: {  	s4 =	sld [smem:$0x0]  }
0xa6: {  	s5 =	sand.u32 $0xFFFFFFFE, s1  }
0xa7: {  	p0 =	sne.s32 s1, s5  }
0xa8: {  	s5 =	sshll.u32 @p0 s5, $0xE  }
0xa9: {  	s5 =	sadd.s32 @p0 $0x11B8D, s5;
	s6 =	sshll.u32 @p0 s4, $0x11  }
0xaa: {  	s5 =	sor.u32 @p0 s6, s5  }
0xab: {  	[sflag:s5] =	ssyncadd.remote.s32 @p0 $0x1;
	_ =	sdelay $0x1  }
0xac: {  	s5 =	simm.s32 @p0 $0x1B8D  }
0xad: {  	_ =	swait.eq @p0 [sflag:s5], $0x1  }
0xae: {  	[sflag:s5] =	ssyncadd.s32 @p0 $0xFFFFFFFF  }
0xaf: {  	s6 =	sshll.u32 @!p0 s1, $0xE  }
0xb0: {  	s6 =	sor.u32 @!p0 $0x4000, s6;
	s5 =	simm.s32 @!p0 $0x1B8D  }
0xb1: {  	s4 =	sshll.u32 @!p0 s4, $0x11;
	s6 =	sadd.s32 @!p0 $0x11B8D, s6;
	_ =	swait.eq @!p0 [sflag:s5], $0x1  }
0xb2: {  	s4 =	sor.u32 @!p0 s4, s6;
	[sflag:s5] =	ssyncadd.s32 @!p0 $0xFFFFFFFF  }
0xb3: {  	s25 =	simm.s32 $0x1B8E;
	s24 =	sld [smem:$0x3FFE];
	[sflag:s4] =	ssyncadd.remote.s32 @!p0 $0x1  }
0xb4: {  	s26 =	simm.s32 $execute0_lowered;
	[smem:$0x3FD2] =	sst s25  }
0xb5: {  	s5 =	sshll.u32 s26, $0x1;
	_ =	strace $0x80000049;
	[dreg:$0x1] =	wrdreg $0xFFFFFFFF  }
0xb6: {  	s28 =	simm.s32 $_size_execute0_lowered;
	s3 =	sadd.s32 s3, s5;
	[dreg:$0x0] =	wrdreg $0x0  }
0xb7: {  	s5 =	sshll.u32 s28, $0x1;
	[dreg:$0x2] =	wrdreg s3  }
0xb8: {  	[dreg:$0x3] =	wrdreg s5  }
0xb9: {  	[dreg:$0x4] =	wrdreg $0xC0  }
0xba: {  	_ =	task [dreg:s22], $0x5FFFF  }
0xbb: {  	[dreg:$0x1] =	wrdreg $0xFFFFFFFF  }
0xbc: {  	[dreg:$0x0] =	wrdreg $0x60  }
0xbd: {  	[dreg:$0x2] =	wrdreg s24  }
0xbe: {  	[dreg:$0x3] =	wrdreg $0xA  }
0xbf: {  	_ =	task.clear_ibuf [dreg:s22], $0x4FFFF;
	_ =	strace $0x90000049  }
0xc0: {  	s29 =	simm.s32 $0xA;
	_ =	strace $0x8000004B  }
0xc1: {  	_ =	swait.ge [sflag:s29], $0x1  }
0xc2: {  	[sflag:s29] =	ssyncadd.s32 $0xFFFFFFFF  }
0xc3: {  	_ =	strace $0x9000004B  }
0xc4: {  	_ =	sfence  }
0xc5: {  	s30 =	sld [smem:$0x0];
	_ =	sdelay $0x2  }
0xc6: {  	s31 =	sshll.u32 s1, $0xD;
	s1 =	sshrl.u32 s1, $0x2  }
0xc7: {  	s4 =	sand.u32 $0x4000, s31;
	s1 =	sadd.s32 s1, s30  }
0xc8: {  	s0 =	sor.u32 s4, s0;
	s1 =	sshll.u32 s1, $0x11  }
0xc9: {  	s0 =	sor.u32 s1, s0  }
0xca: {  	s0 =	sadd.s32 $0x8F2B, s0  }
0xcb: {  	[sflag:s0] =	ssyncadd.remote.s32 $0x1  }
0xcc: {  	_ =	sfence.sel $0xFFFF  }
0xcd: {  	[dreg:$0x0] =	wrdreg $0xFFFFFFFF;
	(pc) =	sbr.abs _section_cstart, $3  }
0xce: {  	[dreg:$0x1] =	wrdreg $0xFFFFFFFF  }
0xcf: {  	_ =	task.clear_ibuf [dreg:s22], $0x2FFFF;
	_ =	strace $0x9FFFFFFF  }
0xd0: {  	(tm) =	ssettm $0x7FFFFFFF  }
0xd1: {  	_ =	shalt  }
tec
execute0_lowered:
.L_overlay_start_1:
0x0: {  	(tag) =	ssettag $0x1  }
0x1: {  	s0 =	rddreg [dreg:$0x0]  }
0x2: {  	s3 =	srdreg.scid;
	s1 =	stileid.u32  }
0x3: {  	s2 =	simm.s32 $0x0;
	s15 =	simm.s32 $0x6C8;
	s16 =	simm.s32 $0x1  }
0x4: {  	s17 =	simm.s32 $0x7C0;
	s18 =	simm.s32 $0x2;
	s19 =	simm.s32 $0x45C0  }
0x5: {  	s20 =	simm.s32 $0x3;
	s21 =	simm.s32 $0x83C0;
	s4 =	smul.u32 $0x7C00, s1  }
0x6: {  	s8 =	sand.u32 $0x1, s3;
	s3 =	sadd.s32 $0x9E6A00, s0;
	s9 =	sadd.s32 $0x9C7A00, s0  }
0x7: {  	[smem:$0x7FF] =	sst s2;
	s11 =	sadd.s32 $0x9D7200, s0;
	s31 =	smul.u32 $0x3E000, s1  }
0x8: {  	s0 =	sadd.s32 $0xEC8A00, s0;
	s5 =	smul.u32 $0x3E00, s8;
	s6 =	ssub.s32 $0x2, s8  }
0x9: {  	_ =	strace $0x8000004A;
	s8 =	smul.u32 $0x1F000, s8;
	s22 =	sshrl.u32 s6, $0x1  }
0xa: {  	s10 =	sadd.s32 s5, s4;
	s4 =	ssub.s32 s6, s22;
	s22 =	simm.s32 $0x4  }
0xb: {  	s5 =	sadd.s32 $0x2E8, s10;
	s4 =	smax.u32 s4, $0x1;
	s12 =	sor.u32 $0x1F0, s10  }
0xc: {  	s13 =	sor.u32 $0xF8, s10;
	s10 =	sshrl.u32 s10, $0x3;
	s5 =	sshrl.u32 s5, $0x3  }
0xd: {  	[dreg:$0xa] =	wrdreg s4;
	s26 =	sshrl.u32 s12, $0x3;
	s7 =	sadd.s32 s5, s11  }
0xe: {  	s28 =	sshll.u32 s12, $0x3;
	s24 =	sadd.s32 s5, s9;
	[dreg:$0x2] =	wrdreg s7  }
0xf: {  	s30 =	sshrl.u32 s13, $0x3;
	s29 =	sadd.s32 s26, s11;
	[dreg:$0x3] =	wrdreg s24  }
0x10: {  	s23 =	sshll.u32 s5, $0x6;
	s6 =	sadd.s32 s26, s9;
	[dreg:$0x4] =	wrdreg s29  }
0x11: {  	s13 =	sshll.u32 s30, $0x6;
	s14 =	sadd.s32 s30, s11;
	[dreg:$0x5] =	wrdreg s6  }
0x12: {  	s12 =	sadd.s32 s30, s9;
	s11 =	sadd.s32 s10, s11;
	[dreg:$0x6] =	wrdreg s14  }
0x13: {  	s9 =	sadd.s32 s10, s9;
	s10 =	simm.s32 $0x1F0;
	[dreg:$0x7] =	wrdreg s12  }
0x14: {  	s25 =	sadd.s32 s23, s0;
	s6 =	sadd.s32 s28, s0;
	[dreg:$0x8] =	wrdreg s11  }
0x15: {  	s7 =	sadd.s32 s13, s0;
	s0 =	sadd.s32 s31, s0;
	[dreg:$0x9] =	wrdreg s9  }
0x16: {  	s9 =	simm.s32 $0xF8;
	s11 =	simm.s32 $0x2E8;
	s12 =	simm.s32 $0x3E0  }
0x17: {  	s13 =	simm.s32 $0x4D8;
	s14 =	simm.s32 $0x5D0;
	s23 =	simm.s32 $0xC1C0  }
0x18: {  	s24 =	simm.s32 $0x0;
	[dreg:$0xb] =	wrdreg s25;
	s8 =	sadd.s32 s8, s0  }
.LBB2_1:
0x19: {  	s0 =	rddreg [dreg:$0x9]  }
0x1a: {  	s25 =	rddreg [dreg:$0x7];
	s0 =	sadd.s32 $0x0, s0  }
0x1b: {  	[tilespmem:s2], [sflag:$0x1] =	stream.linear.gather [hbm4b:s0+s2], $0xF8, $0x38;
	[tilespmem:$0xFFC0] =	vst v63  }
0x1c: {  	s26 =	rddreg [dreg:$0x5];
	s25 =	sadd.s32 $0x0, s25  }
0x1d: {  	[tilespmem:s9], [sflag:$0x2] =	stream.linear.gather [hbm4b:s25+s2], $0xF8, $0x38;
	[tilespmem:$0xFFC0] =	vst v63  }
0x1e: {  	s1 =	rddreg [dreg:$0x3];
	s4 =	sadd.s32 $0x0, s26  }
0x1f: {  	[tilespmem:s10], [sflag:$0x3] =	stream.linear.gather [hbm4b:s4+s2], $0xF8, $0x38;
	[tilespmem:$0xFFC0] =	vst v63  }
0x20: {  	s5 =	rddreg [dreg:$0x8];
	s25 =	sadd.s32 $0x0, s1  }
0x21: {  	[tilespmem:s11], [sflag:$0x4] =	stream.linear.gather [hbm4b:s25+s2], $0xF8, $0x38;
	[tilespmem:$0xFFC0] =	vst v63  }
0x22: {  	s1 =	rddreg [dreg:$0x6];
	s4 =	sadd.s32 $0x0, s5  }
0x23: {  	[tilespmem:s12], [sflag:$0x1] =	stream.linear.gather [hbm4b:s4+s2], $0xF8, $0x38;
	[tilespmem:$0xFFC0] =	vst v63  }
0x24: {  	s1 =	sadd.s32 $0x0, s1;
	s5 =	rddreg [dreg:$0x4]  }
0x25: {  	[tilespmem:s13], [sflag:$0x2] =	stream.linear.gather [hbm4b:s1+s2], $0xF8, $0x38;
	[tilespmem:$0xFFC0] =	vst v63  }
0x26: {  	s5 =	sadd.s32 $0x0, s5;
	s4 =	rddreg [dreg:$0x2]  }
0x27: {  	[tilespmem:s14], [sflag:$0x3] =	stream.linear.gather [hbm4b:s5+s2], $0xF8, $0x38;
	[tilespmem:$0xFFC0] =	vst v63  }
0x28: {  	s26 =	sadd.s32 $0x0, s4  }
0x29: {  	[tilespmem:s15], [sflag:$0x4] =	stream.linear.gather [hbm4b:s26+s2], $0xF8, $0x38;
	[tilespmem:$0xFFC0] =	vst v63  }
0x2a: {  	_ =	swait.ge [sflag:s16], $0xF8  }
0x2b: {  	[sflag:s16] =	ssyncset.done $0x0  }
0x2c: {  	[sflag:s16] =	ssyncadd.s32 $0xFFFFFF08  }
0x2d: {  	_ =	swait.ge [sflag:s16], $0xF8  }
0x2e: {  	[sflag:s16] =	ssyncset.done $0x0  }
0x2f: {  	[sflag:s16] =	ssyncadd.s32 $0xFFFFFF08  }
0x30: {  	[tilespmem:s17], [sflag:$0x1] =	stream.indirect.gather [hbm4b:s3+s9], $0x40, s2, s9, $0xb8;
	[tilespmem:$0xFFC0] =	vst v63  }
0x31: {  	_ =	swait.ge [sflag:s18], $0xF8  }
0x32: {  	[sflag:s18] =	ssyncset.done $0x0  }
0x33: {  	[sflag:s18] =	ssyncadd.s32 $0xFFFFFF08  }
0x34: {  	_ =	swait.ge [sflag:s18], $0xF8  }
0x35: {  	[sflag:s18] =	ssyncset.done $0x0  }
0x36: {  	[sflag:s18] =	ssyncadd.s32 $0xFFFFFF08  }
0x37: {  	[tilespmem:s19], [sflag:$0x2] =	stream.indirect.gather [hbm4b:s3+s9], $0x40, s9, s9, $0xb8;
	[tilespmem:$0xFFC0] =	vst v63  }
0x38: {  	_ =	swait.ge [sflag:s20], $0xF8  }
0x39: {  	[sflag:s20] =	ssyncset.done $0x0  }
0x3a: {  	[sflag:s20] =	ssyncadd.s32 $0xFFFFFF08  }
0x3b: {  	_ =	swait.ge [sflag:s20], $0xF8  }
0x3c: {  	[sflag:s20] =	ssyncset.done $0x0  }
0x3d: {  	[sflag:s20] =	ssyncadd.s32 $0xFFFFFF08  }
0x3e: {  	[tilespmem:s21], [sflag:$0x3] =	stream.indirect.gather [hbm4b:s3+s9], $0x40, s10, s9, $0xb8;
	[tilespmem:$0xFFC0] =	vst v63  }
0x3f: {  	_ =	swait.ge [sflag:s22], $0xF8  }
0x40: {  	[sflag:s22] =	ssyncset.done $0x0  }
0x41: {  	[sflag:s22] =	ssyncadd.s32 $0xFFFFFF08  }
0x42: {  	_ =	swait.ge [sflag:s22], $0xF8  }
0x43: {  	[sflag:s22] =	ssyncset.done $0x0  }
0x44: {  	[sflag:s22] =	ssyncadd.s32 $0xFFFFFF08  }
0x45: {  	[tilespmem:s23], [sflag:$0x4] =	stream.indirect.gather [hbm4b:s3+s9], $0x40, s11, s9, $0xb8;
	[tilespmem:$0xFFC0] =	vst v63  }
0x46: {  	_ =	swait.ge [sflag:s16], $0x3E00  }
0x47: {  	[sflag:s16] =	ssyncset.done $0x0  }
0x48: {  	[sflag:s16] =	ssyncadd.s32 $0xFFFFC200  }
0x49: {  	[tilespmem:s17], [sflag:$0x1] =	stream.indirect.gather.add.f32 [hbm:s3], $0x40, s12, s9, $0xb8;
	[tilespmem:$0xFFC0] =	vst v63  }
0x4a: {  	_ =	swait.ge [sflag:s18], $0x3E00  }
0x4b: {  	[sflag:s18] =	ssyncset.done $0x0  }
0x4c: {  	[sflag:s18] =	ssyncadd.s32 $0xFFFFC200  }
0x4d: {  	[tilespmem:s19], [sflag:$0x2] =	stream.indirect.gather.add.f32 [hbm:s3], $0x40, s13, s9, $0xb8;
	[tilespmem:$0xFFC0] =	vst v63  }
0x4e: {  	_ =	swait.ge [sflag:s20], $0x3E00  }
0x4f: {  	[sflag:s20] =	ssyncset.done $0x0  }
0x50: {  	[sflag:s20] =	ssyncadd.s32 $0xFFFFC200  }
0x51: {  	[tilespmem:s21], [sflag:$0x3] =	stream.indirect.gather.add.f32 [hbm:s3], $0x40, s14, s9, $0xb8;
	[tilespmem:$0xFFC0] =	vst v63  }
0x52: {  	_ =	swait.ge [sflag:s22], $0x3E00  }
0x53: {  	[sflag:s22] =	ssyncset.done $0x0  }
0x54: {  	[sflag:s22] =	ssyncadd.s32 $0xFFFFC200  }
0x55: {  	[tilespmem:s23], [sflag:$0x4] =	stream.indirect.gather.add.f32 [hbm:s3], $0x40, s15, s9, $0xb8;
	[tilespmem:$0xFFC0] =	vst v63  }
0x56: {  	_ =	swait.ge [sflag:s16], $0x3E00  }
0x57: {  	[sflag:s16] =	ssyncset.done $0x0  }
0x58: {  	[sflag:s16] =	ssyncadd.s32 $0xFFFFC200  }
0x59: {  	[hbm4b:s8+s2] =	stream.linear.scatter [tilespmem:s17], [sflag:$0x1], $0x3E00, $0x38;
	[tilespmem:$0xFFC0] =	vst v63  }
0x5a: {  	_ =	swait.ge [sflag:s18], $0x3E00  }
0x5b: {  	[sflag:s18] =	ssyncset.done $0x0  }
0x5c: {  	[sflag:s18] =	ssyncadd.s32 $0xFFFFC200  }
0x5d: {  	[hbm4b:s7+s2] =	stream.linear.scatter [tilespmem:s19], [sflag:$0x2], $0x3E00, $0x38;
	[tilespmem:$0xFFC0] =	vst v63  }
0x5e: {  	_ =	swait.ge [sflag:s20], $0x3E00  }
0x5f: {  	[sflag:s20] =	ssyncset.done $0x0  }
0x60: {  	[sflag:s20] =	ssyncadd.s32 $0xFFFFC200  }
0x61: {  	[hbm4b:s6+s2] =	stream.linear.scatter [tilespmem:s21], [sflag:$0x3], $0x3E00, $0x38;
	[tilespmem:$0xFFC0] =	vst v63  }
0x62: {  	_ =	swait.ge [sflag:s22], $0x3E00  }
0x63: {  	[sflag:s22] =	ssyncset.done $0x0  }
0x64: {  	s25 =	rddreg [dreg:$0xb];
	[sflag:s22] =	ssyncadd.s32 $0xFFFFC200  }
0x65: {  	[hbm4b:s25+s2] =	stream.linear.scatter [tilespmem:s23], [sflag:$0x4], $0x3E00, $0x38;
	[tilespmem:$0xFFC0] =	vst v63  }
0x66: {  	_ =	swait.ge [sflag:s16], $0x3E00  }
0x67: {  	[sflag:s16] =	ssyncset.done $0x0  }
0x68: {  	[sflag:s16] =	ssyncadd.s32 $0xFFFFC200  }
0x69: {  	_ =	swait.ge [sflag:s18], $0x3E00  }
0x6a: {  	[sflag:s18] =	ssyncset.done $0x0  }
0x6b: {  	[sflag:s18] =	ssyncadd.s32 $0xFFFFC200  }
0x6c: {  	_ =	swait.ge [sflag:s20], $0x3E00  }
0x6d: {  	[sflag:s20] =	ssyncset.done $0x0  }
0x6e: {  	s30 =	simm.s32 $0x7C;
	s31 =	simm.s32 $0xF8;
	[sflag:s20] =	ssyncadd.s32 $0xFFFFC200  }
0x6f: {  	s29 =	sadd.s32 $0x1F00, s8;
	s28 =	sadd.s32 $0x1F00, s7;
	_ =	swait.ge [sflag:s22], $0x3E00  }
0x70: {  	s26 =	smov.u32 s6;
	s0 =	rddreg [dreg:$0x9];
	[sflag:s22] =	ssyncset.done $0x0  }
.LBB2_2:
0x71: {  	[sflag:s22] =	ssyncadd.s32 $0xFFFFC200;
	s4 =	rddreg [dreg:$0x7];
	s0 =	sadd.s32 s30, s0  }
0x72: {  	[tilespmem:s2], [sflag:$0x1] =	stream.linear.gather [hbm4b:s0+s2], $0xF8, $0x38;
	[tilespmem:$0xFFC0] =	vst v63  }
0x73: {  	s5 =	rddreg [dreg:$0x5];
	s0 =	sadd.s32 s30, s4  }
0x74: {  	[tilespmem:s9], [sflag:$0x2] =	stream.linear.gather [hbm4b:s0+s2], $0xF8, $0x38;
	[tilespmem:$0xFFC0] =	vst v63  }
0x75: {  	s4 =	rddreg [dreg:$0x3];
	s0 =	sadd.s32 s30, s5  }
0x76: {  	[tilespmem:s10], [sflag:$0x3] =	stream.linear.gather [hbm4b:s0+s2], $0xF8, $0x38;
	[tilespmem:$0xFFC0] =	vst v63  }
0x77: {  	s5 =	rddreg [dreg:$0x8];
	s0 =	sadd.s32 s30, s4  }
0x78: {  	[tilespmem:s11], [sflag:$0x4] =	stream.linear.gather [hbm4b:s0+s2], $0xF8, $0x38;
	[tilespmem:$0xFFC0] =	vst v63  }
0x79: {  	s4 =	rddreg [dreg:$0x6];
	s0 =	sadd.s32 s30, s5  }
0x7a: {  	[tilespmem:s12], [sflag:$0x1] =	stream.linear.gather [hbm4b:s0+s2], $0xF8, $0x38;
	[tilespmem:$0xFFC0] =	vst v63  }
0x7b: {  	s5 =	rddreg [dreg:$0x4];
	s0 =	sadd.s32 s30, s4  }
0x7c: {  	[tilespmem:s13], [sflag:$0x2] =	stream.linear.gather [hbm4b:s0+s2], $0xF8, $0x38;
	[tilespmem:$0xFFC0] =	vst v63  }
0x7d: {  	s5 =	sadd.s32 s30, s5;
	s4 =	rddreg [dreg:$0x2]  }
0x7e: {  	[tilespmem:s14], [sflag:$0x3] =	stream.linear.gather [hbm4b:s5+s2], $0xF8, $0x38;
	[tilespmem:$0xFFC0] =	vst v63  }
0x7f: {  	s5 =	sadd.s32 s30, s4  }
0x80: {  	[tilespmem:s15], [sflag:$0x4] =	stream.linear.gather [hbm4b:s5+s2], $0xF8, $0x38;
	[tilespmem:$0xFFC0] =	vst v63  }
0x81: {  	_ =	swait.ge [sflag:s16], $0xF8  }
0x82: {  	[sflag:s16] =	ssyncset.done $0x0  }
0x83: {  	[sflag:s16] =	ssyncadd.s32 $0xFFFFFF08  }
0x84: {  	_ =	swait.ge [sflag:s16], $0xF8  }
0x85: {  	[sflag:s16] =	ssyncset.done $0x0  }
0x86: {  	[sflag:s16] =	ssyncadd.s32 $0xFFFFFF08  }
0x87: {  	[tilespmem:s17], [sflag:$0x1] =	stream.indirect.gather [hbm4b:s3+s9], $0x40, s2, s9, $0xb8;
	[tilespmem:$0xFFC0] =	vst v63  }
0x88: {  	_ =	swait.ge [sflag:s18], $0xF8  }
0x89: {  	[sflag:s18] =	ssyncset.done $0x0  }
0x8a: {  	[sflag:s18] =	ssyncadd.s32 $0xFFFFFF08  }
0x8b: {  	_ =	swait.ge [sflag:s18], $0xF8  }
0x8c: {  	[sflag:s18] =	ssyncset.done $0x0  }
0x8d: {  	[sflag:s18] =	ssyncadd.s32 $0xFFFFFF08  }
0x8e: {  	[tilespmem:s19], [sflag:$0x2] =	stream.indirect.gather [hbm4b:s3+s9], $0x40, s9, s9, $0xb8;
	[tilespmem:$0xFFC0] =	vst v63  }
0x8f: {  	_ =	swait.ge [sflag:s20], $0xF8  }
0x90: {  	[sflag:s20] =	ssyncset.done $0x0  }
0x91: {  	[sflag:s20] =	ssyncadd.s32 $0xFFFFFF08  }
0x92: {  	_ =	swait.ge [sflag:s20], $0xF8  }
0x93: {  	[sflag:s20] =	ssyncset.done $0x0  }
0x94: {  	[sflag:s20] =	ssyncadd.s32 $0xFFFFFF08  }
0x95: {  	[tilespmem:s21], [sflag:$0x3] =	stream.indirect.gather [hbm4b:s3+s9], $0x40, s10, s9, $0xb8;
	[tilespmem:$0xFFC0] =	vst v63  }
0x96: {  	_ =	swait.ge [sflag:s22], $0xF8  }
0x97: {  	[sflag:s22] =	ssyncset.done $0x0  }
0x98: {  	[sflag:s22] =	ssyncadd.s32 $0xFFFFFF08  }
0x99: {  	_ =	swait.ge [sflag:s22], $0xF8  }
0x9a: {  	[sflag:s22] =	ssyncset.done $0x0  }
0x9b: {  	[sflag:s22] =	ssyncadd.s32 $0xFFFFFF08  }
0x9c: {  	[tilespmem:s23], [sflag:$0x4] =	stream.indirect.gather [hbm4b:s3+s9], $0x40, s11, s9, $0xb8;
	[tilespmem:$0xFFC0] =	vst v63  }
0x9d: {  	_ =	swait.ge [sflag:s16], $0x3E00  }
0x9e: {  	[sflag:s16] =	ssyncset.done $0x0  }
0x9f: {  	[sflag:s16] =	ssyncadd.s32 $0xFFFFC200  }
0xa0: {  	[tilespmem:s17], [sflag:$0x1] =	stream.indirect.gather.add.f32 [hbm:s3], $0x40, s12, s9, $0xb8;
	[tilespmem:$0xFFC0] =	vst v63  }
0xa1: {  	_ =	swait.ge [sflag:s18], $0x3E00  }
0xa2: {  	[sflag:s18] =	ssyncset.done $0x0  }
0xa3: {  	[sflag:s18] =	ssyncadd.s32 $0xFFFFC200  }
0xa4: {  	[tilespmem:s19], [sflag:$0x2] =	stream.indirect.gather.add.f32 [hbm:s3], $0x40, s13, s9, $0xb8;
	[tilespmem:$0xFFC0] =	vst v63  }
0xa5: {  	_ =	swait.ge [sflag:s20], $0x3E00  }
0xa6: {  	[sflag:s20] =	ssyncset.done $0x0  }
0xa7: {  	[sflag:s20] =	ssyncadd.s32 $0xFFFFC200  }
0xa8: {  	[tilespmem:s21], [sflag:$0x3] =	stream.indirect.gather.add.f32 [hbm:s3], $0x40, s14, s9, $0xb8;
	[tilespmem:$0xFFC0] =	vst v63  }
0xa9: {  	_ =	swait.ge [sflag:s22], $0x3E00  }
0xaa: {  	[sflag:s22] =	ssyncset.done $0x0  }
0xab: {  	[sflag:s22] =	ssyncadd.s32 $0xFFFFC200  }
0xac: {  	[tilespmem:s23], [sflag:$0x4] =	stream.indirect.gather.add.f32 [hbm:s3], $0x40, s15, s9, $0xb8;
	[tilespmem:$0xFFC0] =	vst v63  }
0xad: {  	_ =	swait.ge [sflag:s16], $0x3E00  }
0xae: {  	[sflag:s16] =	ssyncset.done $0x0  }
0xaf: {  	[sflag:s16] =	ssyncadd.s32 $0xFFFFC200  }
0xb0: {  	[hbm4b:s29+s2] =	stream.linear.scatter [tilespmem:s17], [sflag:$0x1], $0x3E00, $0x38;
	[tilespmem:$0xFFC0] =	vst v63  }
0xb1: {  	_ =	swait.ge [sflag:s18], $0x3E00  }
0xb2: {  	[sflag:s18] =	ssyncset.done $0x0  }
0xb3: {  	[sflag:s18] =	ssyncadd.s32 $0xFFFFC200  }
0xb4: {  	[hbm4b:s28+s2] =	stream.linear.scatter [tilespmem:s19], [sflag:$0x2], $0x3E00, $0x38;
	[tilespmem:$0xFFC0] =	vst v63  }
0xb5: {  	_ =	swait.ge [sflag:s20], $0x3E00  }
0xb6: {  	[sflag:s20] =	ssyncset.done $0x0  }
0xb7: {  	s26 =	sadd.s32 $0x1F00, s26;
	[sflag:s20] =	ssyncadd.s32 $0xFFFFC200  }
0xb8: {  	[hbm4b:s26+s2] =	stream.linear.scatter [tilespmem:s21], [sflag:$0x3], $0x3E00, $0x38;
	[tilespmem:$0xFFC0] =	vst v63  }
0xb9: {  	_ =	swait.ge [sflag:s22], $0x3E00  }
0xba: {  	[sflag:s22] =	ssyncset.done $0x0  }
0xbb: {  	s25 =	sadd.s32 $0x1F00, s25;
	[sflag:s22] =	ssyncadd.s32 $0xFFFFC200  }
0xbc: {  	[hbm4b:s25+s2] =	stream.linear.scatter [tilespmem:s23], [sflag:$0x4], $0x3E00, $0x38;
	[tilespmem:$0xFFC0] =	vst v63  }
0xbd: {  	_ =	swait.ge [sflag:s16], $0x3E00  }
0xbe: {  	[sflag:s16] =	ssyncset.done $0x0  }
0xbf: {  	[sflag:s16] =	ssyncadd.s32 $0xFFFFC200  }
0xc0: {  	_ =	swait.ge [sflag:s18], $0x3E00  }
0xc1: {  	[sflag:s18] =	ssyncset.done $0x0  }
0xc2: {  	p0 =	sne.s32 s31, $0x744;
	[sflag:s18] =	ssyncadd.s32 $0xFFFFC200  }
.Ltmp0:
0xc3: {  	_ =	swait.ge [sflag:s20], $0x3E00;
	(pc) =	sbr.rel @p0 .LBB2_2-.Ltmp0, $4  }
0xc4: {  	[sflag:s20] =	ssyncset.done $0x0  }
0xc5: {  	s1 =	smov.u32 s31;
	s31 =	sadd.s32 $0x7C, s31;
	[sflag:s20] =	ssyncadd.s32 $0xFFFFC200  }
0xc6: {  	s30 =	smov.u32 s1;
	s29 =	sadd.s32 $0x1F00, s29;
	_ =	swait.ge [sflag:s22], $0x3E00  }
0xc7: {  	s28 =	sadd.s32 $0x1F00, s28;
	s0 =	rddreg [dreg:$0x9];
	[sflag:s22] =	ssyncset.done $0x0  }
0xc8: {  	s1 =	rddreg [dreg:$0x7];
	[sflag:s22] =	ssyncadd.s32 $0xFFFFC200;
	s0 =	sadd.s32 s30, s0  }
0xc9: {  	[tilespmem:s2], [sflag:$0x1] =	stream.linear.gather [hbm4b:s0+s2], $0xF8, $0x38;
	[tilespmem:$0xFFC0] =	vst v63  }
0xca: {  	s5 =	rddreg [dreg:$0x5];
	s1 =	sadd.s32 s30, s1  }
0xcb: {  	[tilespmem:s9], [sflag:$0x2] =	stream.linear.gather [hbm4b:s1+s2], $0xF8, $0x38;
	[tilespmem:$0xFFC0] =	vst v63  }
0xcc: {  	s31 =	rddreg [dreg:$0x3];
	s0 =	sadd.s32 s30, s5  }
0xcd: {  	[tilespmem:s10], [sflag:$0x3] =	stream.linear.gather [hbm4b:s0+s2], $0xF8, $0x38;
	[tilespmem:$0xFFC0] =	vst v63  }
0xce: {  	s4 =	rddreg [dreg:$0x8];
	s1 =	sadd.s32 s30, s31  }
0xcf: {  	[tilespmem:s11], [sflag:$0x4] =	stream.linear.gather [hbm4b:s1+s2], $0xF8, $0x38;
	[tilespmem:$0xFFC0] =	vst v63  }
0xd0: {  	s5 =	rddreg [dreg:$0x6];
	s0 =	sadd.s32 s30, s4  }
0xd1: {  	[tilespmem:s12], [sflag:$0x1] =	stream.linear.gather [hbm4b:s0+s2], $0xF8, $0x38;
	[tilespmem:$0xFFC0] =	vst v63  }
0xd2: {  	s31 =	rddreg [dreg:$0x4];
	s1 =	sadd.s32 s30, s5  }
0xd3: {  	[tilespmem:s13], [sflag:$0x2] =	stream.linear.gather [hbm4b:s1+s2], $0xF8, $0x38;
	[tilespmem:$0xFFC0] =	vst v63  }
0xd4: {  	s4 =	rddreg [dreg:$0x2];
	s0 =	sadd.s32 s30, s31  }
0xd5: {  	[tilespmem:s14], [sflag:$0x3] =	stream.linear.gather [hbm4b:s0+s2], $0xF8, $0x38;
	[tilespmem:$0xFFC0] =	vst v63  }
0xd6: {  	s5 =	sadd.s32 s30, s4  }
0xd7: {  	[tilespmem:s15], [sflag:$0x4] =	stream.linear.gather [hbm4b:s5+s2], $0xF8, $0x38;
	[tilespmem:$0xFFC0] =	vst v63  }
0xd8: {  	_ =	swait.ge [sflag:s16], $0xF8  }
0xd9: {  	[sflag:s16] =	ssyncset.done $0x0  }
0xda: {  	[sflag:s16] =	ssyncadd.s32 $0xFFFFFF08  }
0xdb: {  	_ =	swait.ge [sflag:s16], $0xF8  }
0xdc: {  	[sflag:s16] =	ssyncset.done $0x0  }
0xdd: {  	[sflag:s16] =	ssyncadd.s32 $0xFFFFFF08  }
0xde: {  	[tilespmem:s17], [sflag:$0x1] =	stream.indirect.gather [hbm4b:s3+s9], $0x40, s2, s9, $0xb8;
	[tilespmem:$0xFFC0] =	vst v63  }
0xdf: {  	_ =	swait.ge [sflag:s18], $0xF8  }
0xe0: {  	[sflag:s18] =	ssyncset.done $0x0  }
0xe1: {  	[sflag:s18] =	ssyncadd.s32 $0xFFFFFF08  }
0xe2: {  	_ =	swait.ge [sflag:s18], $0xF8  }
0xe3: {  	[sflag:s18] =	ssyncset.done $0x0  }
0xe4: {  	[sflag:s18] =	ssyncadd.s32 $0xFFFFFF08  }
0xe5: {  	[tilespmem:s19], [sflag:$0x2] =	stream.indirect.gather [hbm4b:s3+s9], $0x40, s9, s9, $0xb8;
	[tilespmem:$0xFFC0] =	vst v63  }
0xe6: {  	_ =	swait.ge [sflag:s20], $0xF8  }
0xe7: {  	[sflag:s20] =	ssyncset.done $0x0  }
0xe8: {  	[sflag:s20] =	ssyncadd.s32 $0xFFFFFF08  }
0xe9: {  	_ =	swait.ge [sflag:s20], $0xF8  }
0xea: {  	[sflag:s20] =	ssyncset.done $0x0  }
0xeb: {  	[sflag:s20] =	ssyncadd.s32 $0xFFFFFF08  }
0xec: {  	[tilespmem:s21], [sflag:$0x3] =	stream.indirect.gather [hbm4b:s3+s9], $0x40, s10, s9, $0xb8;
	[tilespmem:$0xFFC0] =	vst v63  }
0xed: {  	_ =	swait.ge [sflag:s22], $0xF8  }
0xee: {  	[sflag:s22] =	ssyncset.done $0x0  }
0xef: {  	[sflag:s22] =	ssyncadd.s32 $0xFFFFFF08  }
0xf0: {  	_ =	swait.ge [sflag:s22], $0xF8  }
0xf1: {  	[sflag:s22] =	ssyncset.done $0x0  }
0xf2: {  	[sflag:s22] =	ssyncadd.s32 $0xFFFFFF08  }
0xf3: {  	[tilespmem:s23], [sflag:$0x4] =	stream.indirect.gather [hbm4b:s3+s9], $0x40, s11, s9, $0xb8;
	[tilespmem:$0xFFC0] =	vst v63  }
0xf4: {  	_ =	swait.ge [sflag:s16], $0x3E00  }
0xf5: {  	[sflag:s16] =	ssyncset.done $0x0  }
0xf6: {  	[sflag:s16] =	ssyncadd.s32 $0xFFFFC200  }
0xf7: {  	[tilespmem:s17], [sflag:$0x1] =	stream.indirect.gather.add.f32 [hbm:s3], $0x40, s12, s9, $0xb8;
	[tilespmem:$0xFFC0] =	vst v63  }
0xf8: {  	_ =	swait.ge [sflag:s18], $0x3E00  }
0xf9: {  	[sflag:s18] =	ssyncset.done $0x0  }
0xfa: {  	[sflag:s18] =	ssyncadd.s32 $0xFFFFC200  }
0xfb: {  	[tilespmem:s19], [sflag:$0x2] =	stream.indirect.gather.add.f32 [hbm:s3], $0x40, s13, s9, $0xb8;
	[tilespmem:$0xFFC0] =	vst v63  }
0xfc: {  	_ =	swait.ge [sflag:s20], $0x3E00  }
0xfd: {  	[sflag:s20] =	ssyncset.done $0x0  }
0xfe: {  	[sflag:s20] =	ssyncadd.s32 $0xFFFFC200  }
0xff: {  	[tilespmem:s21], [sflag:$0x3] =	stream.indirect.gather.add.f32 [hbm:s3], $0x40, s14, s9, $0xb8;
	[tilespmem:$0xFFC0] =	vst v63  }
0x100: {  	_ =	swait.ge [sflag:s22], $0x3E00  }
0x101: {  	[sflag:s22] =	ssyncset.done $0x0  }
0x102: {  	[sflag:s22] =	ssyncadd.s32 $0xFFFFC200  }
0x103: {  	[tilespmem:s23], [sflag:$0x4] =	stream.indirect.gather.add.f32 [hbm:s3], $0x40, s15, s9, $0xb8;
	[tilespmem:$0xFFC0] =	vst v63  }
0x104: {  	_ =	swait.ge [sflag:s16], $0x3E00  }
0x105: {  	[sflag:s16] =	ssyncset.done $0x0  }
0x106: {  	[sflag:s16] =	ssyncadd.s32 $0xFFFFC200  }
0x107: {  	[hbm4b:s29+s2] =	stream.linear.scatter [tilespmem:s17], [sflag:$0x1], $0x3E00, $0x38;
	[tilespmem:$0xFFC0] =	vst v63  }
0x108: {  	_ =	swait.ge [sflag:s18], $0x3E00  }
0x109: {  	[sflag:s18] =	ssyncset.done $0x0  }
0x10a: {  	[sflag:s18] =	ssyncadd.s32 $0xFFFFC200  }
0x10b: {  	[hbm4b:s28+s2] =	stream.linear.scatter [tilespmem:s19], [sflag:$0x2], $0x3E00, $0x38;
	[tilespmem:$0xFFC0] =	vst v63  }
0x10c: {  	_ =	swait.ge [sflag:s20], $0x3E00  }
0x10d: {  	[sflag:s20] =	ssyncset.done $0x0  }
0x10e: {  	s29 =	sadd.s32 $0x1F00, s26;
	[sflag:s20] =	ssyncadd.s32 $0xFFFFC200  }
0x10f: {  	[hbm4b:s29+s2] =	stream.linear.scatter [tilespmem:s21], [sflag:$0x3], $0x3E00, $0x38;
	[tilespmem:$0xFFC0] =	vst v63  }
0x110: {  	_ =	swait.ge [sflag:s22], $0x3E00  }
0x111: {  	[sflag:s22] =	ssyncset.done $0x0  }
0x112: {  	s30 =	sadd.s32 $0x1F00, s25;
	[sflag:s22] =	ssyncadd.s32 $0xFFFFC200  }
0x113: {  	[hbm4b:s30+s2] =	stream.linear.scatter [tilespmem:s23], [sflag:$0x4], $0x3E00, $0x38;
	[tilespmem:$0xFFC0] =	vst v63  }
0x114: {  	_ =	swait.ge [sflag:s16], $0x3E00  }
0x115: {  	[sflag:s16] =	ssyncset.done $0x0  }
0x116: {  	[sflag:s16] =	ssyncadd.s32 $0xFFFFC200  }
0x117: {  	_ =	swait.ge [sflag:s18], $0x3E00  }
0x118: {  	[sflag:s18] =	ssyncset.done $0x0  }
0x119: {  	[sflag:s18] =	ssyncadd.s32 $0xFFFFC200  }
0x11a: {  	_ =	swait.ge [sflag:s20], $0x3E00  }
0x11b: {  	[sflag:s20] =	ssyncset.done $0x0  }
0x11c: {  	[sflag:s20] =	ssyncadd.s32 $0xFFFFC200  }
0x11d: {  	_ =	swait.ge [sflag:s22], $0x3E00  }
0x11e: {  	s24 =	sadd.s32 $0x1, s24;
	s31 =	rddreg [dreg:$0xa]  }
0x11f: {  	p0 =	sne.s32 s24, s31  }
.Ltmp1:
0x120: {  	_ = 	snop;
	(pc) =	sbr.rel @p0 .LBB2_1-.Ltmp1, $3  }
0x121: {  	_ =	sdelay $0x1  }
0x122: {  	[sflag:s22] =	ssyncset.done $0x0  }
0x123: {  	[sflag:s22] =	ssyncadd.s32 $0xFFFFC200  }
0x124: {  	_ =	sfence.sel $0x180000  }
0x125: {  	[bflag:$0x0] =	sbarrier.arrive $0xFFFF  }
0x126: {  	_ =	strace $0x9000004A  }
0x127: {  	s0 =	stileid.u32;
	[bflag:$0x2] =	sbarrier.arrive $0xFFFF  }
0x128: {  	p0 =	sne.s32 s0, $0x0;
	s0 =	rddreg [dreg:$0x1]  }
0x129: {  	s0 =	sadd.s32 @!p0 $0x100000, s0  }
0x12a: {  	[sflag:s0] =	ssyncadd.tile.s32 @!p0 $0x1;
	_ =	shalt  }
.Lfunc_end2:
_tile_overlayer_lowered:
.L_overlay_start_2:
0x12b: {  	(tag) =	ssettag $0x2  }
0x12c: {  	s0 =	rddreg [dreg:$0x0];
	s2 =	stileid.u32  }
0x12d: {  	s1 =	rddreg [dreg:$0x1];
	p0 =	sne.s32 s2, $0x0  }
0x12e: {  	s3 =	rddreg [dreg:$0x2];
	[bflag:$0x3] =	sbarrier.arrive $0xFFFF;
	s2 =	simm.s32 @!p0 $0x1C05  }
0x12f: {  	[timem:s3], [sflag:s2] =	dma.local @!p0 [hbm:s0], s1  }
0x130: {  	s0 =	simm.s32 @!p0 $0x5  }
0x131: {  	_ =	swait.ge @!p0 [sflag:s0], s1  }
0x132: {  	s1 =	ssub.s32 @!p0 $0x0, s1;
	[sflag:s0] =	ssyncset.done @!p0 $0x0  }
0x133: {  	[sflag:s0] =	ssyncadd.s32 @!p0 s1  }
0x134: {  	[bflag:$0x3] =	sbarrier.arrive $0xFFFF  }
0x135: {  	_ =	shalt  }

// kernel: kernel.9.cloned.1.call-start
scs
__scs_entry_jumppad:
0x0: {  	(pc) =	sbr.rel $0x88, $3  }
0x1: {  	(tag) =	ssettag $0x0;
	lr =	simm.s32 $0x1  }
0x2: {  	[smem:$0x3F8A] =	sst lr;
	_ =	strace $0xD0000000  }
0x3: {  	_ = 	snop  }
0x4: {  	_ = 	snop  }
0x5: {  	_ = 	snop  }
0x6: {  	_ = 	snop  }
0x7: {  	_ = 	snop  }
__scs_overlays_trampoline_lowered:
0x8: {  	[smem:$0x3F99] =	sst s0  }
0x9: {  	[smem:$0x3F9A] =	sst s1  }
0xa: {  	[smem:$0x3F9B] =	sst s2  }
0xb: {  	[smem:$0x3F9C] =	sst s3  }
0xc: {  	[smem:$0x3F9D] =	sst s4  }
0xd: {  	[smem:$0x3F9E] =	sst s5  }
0xe: {  	[smem:$0x3F9F] =	sst s6  }
0xf: {  	[smem:$0x3FA0] =	sst s7  }
0x10: {  	[smem:$0x3FA1] =	sst s8  }
0x11: {  	[smem:$0x3FA2] =	sst s9;
	s0 =	simm.s32 @!p0 $0x0  }
0x12: {  	s1 =	sld [smem:$0x3F88];
	s0 =	simm.s32 @p0 $0x1  }
0x13: {  	[smem:$0x3FA3] =	sst s0;
	s0 =	simm.s32 @!p1 $0x0  }
0x14: {  	s2 =	sld [smem:$0x3F87];
	s0 =	simm.s32 @p1 $0x1  }
0x15: {  	[smem:$0x3FA4] =	sst s0;
	s0 =	simm.s32 @!p2 $0x0  }
0x16: {  	s3 =	sld [smem:$0x3FDB];
	s0 =	simm.s32 @p2 $0x1  }
0x17: {  	s4 =	simm.s32 $0x1BF5;
	[smem:$0x3FA6] =	sst s0  }
0x18: {  	s0 =	sld [smem:$0x3F89];
	_ =	swait.ge [sflag:s4], $0x0  }
0x19: {  	s7 =	sld [smem:$0x3F8A]  }
0x1a: {  	s8 =	sadd.s32 $0xFFFFE003, lr  }
0x1b: {  	s9 =	sadd.s32 $0xFFFFFEF7, lr;
	s5 =	simm.s32 $0xFFFFFFFF;
	p2 =	slt.u32 s8, $0xFFFFF086  }
0x1c: {  	p1 =	slt.u32 s9, $0xF7A;
	s5 =	simm.s32 @!p2 $0x0  }
0x1d: {  	s5 =	simm.s32 @p1 $0x1;
	p0 =	seq.s32 s7, s2  }
0x1e: {  	s7 =	smul.u32 @!p0 $0xF7A, s2;
	p2 =	seq.s32 @!p0 s5, $0x0  }
0x1f: {  	s9 =	smul.u32 $0xF7A, s1;
	s8 =	simm.s32 @!p0 $0x1BF5;
	p2 =	por !p2, p0  }
0x20: {  	[sflag:s8] =	ssyncset.s32 @!p0 $0xFFFFF086;
	s6 =	sadd.s32 @!p0 s3, s7;
	s7 =	simm.s32 @!p0 $0x108  }
0x21: {  	s3 =	sadd.s32 s3, s9;
	s6 =	sadd.s32 @!p0 $0x88, s6;
	s7 =	simm.s32 @p2 $0x1082  }
0x22: {  	[simem:s7], [sflag:s8] =	dma.local @!p0 [hbm:s6], $0xF7A  }
0x23: {  	s9 =	sor.u32 $0xD0000000, s2;
	s6 =	simm.s32 $0x108;
	_ =	swait.ge @!p0 [sflag:s8], $0x0  }
0x24: {  	s3 =	sadd.s32 $0x88, s3;
	s6 =	simm.s32 @!p1 $0x1082;
	[sflag:s4] =	ssyncset.s32 $0xFFFFF086  }
0x25: {  	[simem:s6], [sflag:s4] =	dma.local [hbm:s3], $0xF7A  }
0x26: {  	[smem:$0x3F8A] =	sst s1;
	(tag) =	ssettag s2;
	_ =	strace s9  }
0x27: {  	s1 =	sld [smem:$0x3F9A]  }
0x28: {  	s2 =	sld [smem:$0x3F9B]  }
0x29: {  	s4 =	sld [smem:$0x3F9D]  }
0x2a: {  	p0 =	seq.s32 s5, $0x0;
	s5 =	sld [smem:$0x3F9E]  }
0x2b: {  	s6 =	sld [smem:$0x3F9F]  }
0x2c: {  	s7 =	sld [smem:$0x3FA0]  }
0x2d: {  	s3 =	simm.s32 $0x108;
	s8 =	sld [smem:$0x3FA1]  }
0x2e: {  	s3 =	simm.s32 @!p0 $0x1082;
	s9 =	sld [smem:$0x3FA2]  }
0x2f: {  	lr =	sadd.s32 s0, s3;
	s0 =	sld [smem:$0x3F99]  }
0x30: {  	s3 =	sld [smem:$0x3F9C]  }
0x31: {  	[smem:$0x3FA5] =	sst s10  }
0x32: {  	s10 =	sld [smem:$0x3FA3];
	_ =	sdelay $0x3  }
0x33: {  	p0 =	seq.s32 s10, $0x1;
	s10 =	sld [smem:$0x3FA5];
	_ =	sdelay $0x3  }
0x34: {  	[smem:$0x3FA5] =	sst s10  }
0x35: {  	s10 =	sld [smem:$0x3FA4];
	_ =	sdelay $0x3  }
0x36: {  	p1 =	seq.s32 s10, $0x1;
	s10 =	sld [smem:$0x3FA5];
	_ =	sdelay $0x3  }
0x37: {  	[smem:$0x3FA5] =	sst s10  }
0x38: {  	s10 =	sld [smem:$0x3FA6]  }
0x39: {  	_ = 	snop;
	(pc) =	sbr.ind lr, $3  }
0x3a: {  	_ = 	snop  }
0x3b: {  	_ = 	snop  }
0x3c: {  	p2 =	seq.s32 s10, $0x1;
	s10 =	sld [smem:$0x3FA5]  }
0x3d: {  	_ =	shalt  }
0x3e: {  	_ =	shalt  }
0x3f: {  	_ =	shalt  }
0x40: {  	_ =	shalt  }
0x41: {  	_ =	shalt  }
0x42: {  	_ =	shalt  }
0x43: {  	_ =	shalt  }
0x44: {  	_ =	shalt  }
0x45: {  	_ =	shalt  }
0x46: {  	_ =	shalt  }
0x47: {  	_ =	shalt  }
0x48: {  	_ =	shalt  }
0x49: {  	_ =	shalt  }
0x4a: {  	_ =	shalt  }
0x4b: {  	_ =	shalt  }
0x4c: {  	_ =	shalt  }
0x4d: {  	_ =	shalt  }
0x4e: {  	_ =	shalt  }
0x4f: {  	_ =	shalt  }
0x50: {  	_ =	shalt  }
0x51: {  	_ =	shalt  }
0x52: {  	_ =	shalt  }
0x53: {  	_ =	shalt  }
0x54: {  	_ =	shalt  }
0x55: {  	_ =	shalt  }
0x56: {  	_ =	shalt  }
0x57: {  	_ =	shalt  }
0x58: {  	_ =	shalt  }
0x59: {  	_ =	shalt  }
0x5a: {  	_ =	shalt  }
0x5b: {  	_ =	shalt  }
0x5c: {  	_ =	shalt  }
0x5d: {  	_ =	shalt  }
0x5e: {  	_ =	shalt  }
0x5f: {  	_ =	shalt  }
0x60: {  	_ =	shalt  }
0x61: {  	_ =	shalt  }
0x62: {  	_ =	shalt  }
0x63: {  	_ =	shalt  }
0x64: {  	_ =	shalt  }
0x65: {  	_ =	shalt  }
0x66: {  	_ =	shalt  }
0x67: {  	_ =	shalt  }
0x68: {  	_ =	shalt  }
0x69: {  	_ =	shalt  }
0x6a: {  	_ =	shalt  }
0x6b: {  	_ =	shalt  }
0x6c: {  	_ =	shalt  }
0x6d: {  	_ =	shalt  }
0x6e: {  	_ =	shalt  }
0x6f: {  	_ =	shalt  }
0x70: {  	_ =	shalt  }
0x71: {  	_ =	shalt  }
0x72: {  	_ =	shalt  }
0x73: {  	_ =	shalt  }
0x74: {  	_ =	shalt  }
0x75: {  	_ =	shalt  }
0x76: {  	_ =	shalt  }
0x77: {  	_ =	shalt  }
0x78: {  	_ =	shalt  }
0x79: {  	_ =	shalt  }
0x7a: {  	_ =	shalt  }
0x7b: {  	_ =	shalt  }
0x7c: {  	_ =	shalt  }
0x7d: {  	_ =	shalt  }
0x7e: {  	_ =	shalt  }
0x7f: {  	_ =	shalt  }
0x80: {  	_ =	shalt  }
0x81: {  	_ =	shalt  }
0x82: {  	_ =	shalt  }
0x83: {  	_ =	shalt  }
0x84: {  	_ =	shalt  }
0x85: {  	_ =	shalt  }
0x86: {  	_ =	shalt  }
0x87: {  	_ =	shalt  }
.Lfunc_end0:
.L_simem_size_0:
called_computation_lowered:
.L_overlay_start_0:
0x88: {  	s2 =	sld [smem:$0x3FD9]  }
0x89: {  	s3 =	sld [smem:$0x3FFE];
	_ =	sdelay $0x1  }
0x8a: {  	s1 =	srdreg.scid  }
0x8b: {  	s0 =	sand.u32 $0x1, s1  }
0x8c: {  	s14 =	sshll.u32 s0, $0xA;
	s2 =	sadd.s32 s3, s2  }
0x8d: {  	s2 =	sadd.s32 s2, s14  }
0x8e: {  	[smem:$0x3FB1] =	sst s2  }
0x8f: {  	_ = 	snop  }
0x90: {  	s2 =	sld [smem:$0x3FD0];
	_ =	sdelay $0x2  }
0x91: {  	s4 =	simm.s32 $0xB;
	s5 =	simm.s32 $0x10;
	s15 =	sld [smem:$0x3FC6]  }
0x92: {  	[smem:s5], [sflag:s4] =	dma.local [hbm:s2], $0x1  }
0x93: {  	_ =	swait.eq [sflag:s4], $0x1  }
0x94: {  	[sflag:s4] =	ssyncset.done $0x0  }
0x95: {  	[sflag:s4] =	ssyncadd.s32 $0xFFFFFFFF  }
0x96: {  	s16 =	sld [smem:$0x12];
	(tm) =	ssettm $0x1  }
0x97: {  	s17 =	sld [smem:$0x3FFB];
	_ =	sdelay $0x3  }
0x98: {  	_ =	strace s17  }
0x99: {  	s4 =	sld [smem:$0x3FFC];
	_ =	sdelay $0x3  }
0x9a: {  	_ =	strace s4  }
0x9b: {  	s4 =	sld [smem:$0x3FFD];
	_ =	sdelay $0x3  }
0x9c: {  	_ =	strace s4  }
0x9d: {  	_ =	strace $0x8FFFFFFF  }
0x9e: {  	s18 =	sld [smem:$0x3FDB];
	_ =	sdelay $0x1  }
0x9f: {  	s19 =	simm.s32 $_scs_section_size  }
0xa0: {  	s6 =	simm.s32 $_size__tile_overlayer_lowered;
	s7 =	simm.s32 $_tile_overlayer_lowered  }
0xa1: {  	s22 =	simm.s32 $0x1BFF;
	s21 =	sshll.u32 s7, $0x1;
	s4 =	sadd.s32 s19, s18  }
0xa2: {  	s8 =	simm.s32 $0x0;
	s20 =	sshll.u32 s6, $0x1;
	s6 =	sadd.s32 s21, s4  }
0xa3: {  	[timem:s8], [sflag:s22] =	dma.local [hbm:s6], s20  }
0xa4: {  	_ =	swait.ge [sflag:s22], s20  }
0xa5: {  	s5 =	ssub.s32 $0x0, s20;
	[sflag:s22] =	ssyncset.done $0x0  }
0xa6: {  	[sflag:s22] =	ssyncadd.s32 s5;
	_ =	sdelay $0x1  }
0xa7: {  	s23 =	simm.s32 $0x1B8B  }
0xa8: {  	_ =	swait.ge [sflag:s23], $0x1  }
0xa9: {  	[sflag:s23] =	ssyncset.done $0x0  }
0xaa: {  	s25 =	simm.s32 $0x1B8E;
	s24 =	sld [smem:$0x3FFE];
	[sflag:s23] =	ssyncadd.s32 $0xFFFFFFFF  }
0xab: {  	s26 =	simm.s32 $execute0_lowered;
	[smem:$0x3FD2] =	sst s25  }
0xac: {  	s6 =	sshll.u32 s26, $0x1;
	_ =	strace $0x80000046;
	[dreg:$0x1] =	wrdreg $0xFFFFFFFF  }
0xad: {  	s28 =	simm.s32 $_size_execute0_lowered;
	s4 =	sadd.s32 s4, s6;
	[dreg:$0x0] =	wrdreg $0x0  }
0xae: {  	s6 =	sshll.u32 s28, $0x1;
	[dreg:$0x2] =	wrdreg s4  }
0xaf: {  	[dreg:$0x3] =	wrdreg s6  }
0xb0: {  	[dreg:$0x4] =	wrdreg $0xC0  }
0xb1: {  	_ =	task [dreg:s8], $0x5FFFF  }
0xb2: {  	[dreg:$0x1] =	wrdreg $0xFFFFFFFF  }
0xb3: {  	[dreg:$0x0] =	wrdreg $0x60  }
0xb4: {  	[dreg:$0x2] =	wrdreg s24  }
0xb5: {  	[dreg:$0x3] =	wrdreg s15  }
0xb6: {  	[dreg:$0x4] =	wrdreg s16  }
0xb7: {  	[dreg:$0x5] =	wrdreg $0xA2000  }
0xb8: {  	[dreg:$0x6] =	wrdreg $0x9  }
0xb9: {  	_ =	task.clear_ibuf [dreg:s8], $0x7FFFF;
	_ =	strace $0x90000046  }
0xba: {  	s29 =	simm.s32 $0x9;
	_ =	strace $0x80000048  }
0xbb: {  	_ =	swait.ge [sflag:s29], $0x1  }
0xbc: {  	[sflag:s29] =	ssyncadd.s32 $0xFFFFFFFF  }
0xbd: {  	_ =	strace $0x90000048  }
0xbe: {  	_ =	sfence  }
0xbf: {  	s30 =	sld [smem:$0x0];
	_ =	sdelay $0x2  }
0xc0: {  	s31 =	sshll.u32 s1, $0xD;
	s1 =	sshrl.u32 s1, $0x2  }
0xc1: {  	s3 =	sand.u32 $0x4000, s31;
	s1 =	sadd.s32 s1, s30  }
0xc2: {  	s0 =	sor.u32 s3, s0;
	s1 =	sshll.u32 s1, $0x11  }
0xc3: {  	s0 =	sor.u32 s1, s0  }
0xc4: {  	s0 =	sadd.s32 $0x8F2B, s0  }
0xc5: {  	[sflag:s0] =	ssyncadd.remote.s32 $0x1  }
0xc6: {  	_ =	sfence.sel $0xFFFF  }
0xc7: {  	[dreg:$0x0] =	wrdreg $0xFFFFFFFF;
	(pc) =	sbr.abs _section_cstart, $3  }
0xc8: {  	[dreg:$0x1] =	wrdreg $0xFFFFFFFF  }
0xc9: {  	_ =	task.clear_ibuf [dreg:s8], $0x2FFFF;
	_ =	strace $0x9FFFFFFF  }
0xca: {  	(tm) =	ssettm $0x7FFFFFFF  }
0xcb: {  	_ =	shalt  }
tec
execute0_lowered:
.L_overlay_start_1:
0x0: {  	(tag) =	ssettag $0x1  }
0x1: {  	s0 =	rddreg [dreg:$0x0]  }
0x2: {  	s1 =	rddreg [dreg:$0x1]  }
0x3: {  	s4 =	rddreg [dreg:$0x2];
	s12 =	stileid.u32  }
0x4: {  	s3 =	srdreg.scid;
	s11 =	smul.u32 $0x50000, s12  }
0x5: {  	s2 =	rddreg [dreg:$0x3];
	s28 =	simm.s32 $0x5200;
	s13 =	smul.u32 $0x2800, s12  }
0x6: {  	s29 =	simm.s32 $0x7A00;
	s30 =	simm.s32 $0x1;
	s14 =	smul.u32 $0x4E20, s12  }
0x7: {  	s31 =	simm.s32 $0x50;
	s5 =	sand.u32 $0x1, s3;
	s20 =	smul.u32 $0x4E200, s12  }
0x8: {  	s6 =	sshll.u32 s12, $0x1;
	s3 =	simm.s32 $0x0;
	s9 =	smul.u32 $0x28000, s5  }
0x9: {  	s0 =	sadd.s32 $0x4E5A00, s0;
	s6 =	sor.u32 s5, s6;
	s17 =	smul.u32 $0x2710, s5  }
0xa: {  	[smem:$0x7FF] =	sst s3;
	s7 =	ssub.s32 $0x2, s5;
	s6 =	smul.u32 $0x2710, s6  }
0xb: {  	s5 =	smul.u32 $0x27100, s5;
	_ =	strace $0x80000047;
	s8 =	sshrl.u32 s7, $0x1  }
0xc: {  	s11 =	sshrl.u32 s11, $0x2;
	s7 =	ssub.s32 s7, s8;
	s6 =	sadd.s32 $0x26C0, s6  }
0xd: {  	s4 =	sadd.s32 s4, s9;
	s7 =	smax.u32 s7, $0x1;
	s10 =	sshrl.u32 s6, $0x3  }
0xe: {  	s6 =	sshll.u32 s6, $0x4;
	[dreg:$0x7] =	wrdreg s7;
	s7 =	sadd.s32 s17, s14  }
0xf: {  	s10 =	sadd.s32 s1, s10;
	s6 =	sadd.s32 s0, s6;
	s0 =	sadd.s32 s20, s0  }
0x10: {  	s23 =	sadd.s32 $0xF0, s7;
	s25 =	sadd.s32 $0xA0, s7;
	s26 =	sadd.s32 $0x50, s7  }
0x11: {  	s7 =	sshrl.u32 s7, $0x3;
	[dreg:$0x6] =	wrdreg s6;
	s6 =	sadd.s32 s11, s2  }
0x12: {  	s20 =	simm.s32 $0x200;
	[dreg:$0x5] =	wrdreg s10;
	s15 =	sadd.s32 $0x2800, s6  }
0x13: {  	s24 =	sshrl.u32 s23, $0x3;
	s16 =	sadd.s32 $0x5000, s6;
	[dreg:$0x8] =	wrdreg s15  }
0x14: {  	s23 =	simm.s32 $0x100;
	s18 =	sadd.s32 $0x7800, s6;
	[dreg:$0x9] =	wrdreg s16  }
0x15: {  	s19 =	sadd.s32 $0xA000, s6;
	s21 =	sadd.s32 $0xC800, s6;
	[dreg:$0xa] =	wrdreg s18  }
0x16: {  	s22 =	sadd.s32 $0xF000, s6;
	s14 =	sadd.s32 $0x11800, s6;
	[dreg:$0xb] =	wrdreg s19  }
0x17: {  	s10 =	sadd.s32 s24, s1;
	s24 =	sadd.s32 s13, s4;
	[dreg:$0xc] =	wrdreg s21  }
0x18: {  	s4 =	simm.s32 $0x4;
	[dreg:$0xd] =	wrdreg s22;
	s15 =	sadd.s32 s5, s0  }
0x19: {  	s0 =	sshrl.u32 s25, $0x3;
	s5 =	sshrl.u32 s26, $0x3;
	s19 =	sadd.s32 s7, s1  }
0x1a: {  	s21 =	simm.s32 $0x5;
	s22 =	simm.s32 $0x80;
	s25 =	simm.s32 $0x180  }
0x1b: {  	s26 =	simm.s32 $0x2A00;
	s11 =	sadd.s32 s0, s1;
	s18 =	sadd.s32 s5, s1  }
0x1c: {  	v0 =	vimm.f32 $0.0e+00;
	s1 =	simm.s32 $0x2;
	s0 =	simm.s32 $0x3;
	s5 =	simm.s32 $0x0  }
.LBB2_1:
0x1d: {  	s7 =	simm.s32 $0x70;
	s8 =	simm.s32 $0x3C0  }
.LBB2_2:
0x1e: {  	p0 =	sne.s32 s8, $0x9FC0;
	[tilespmem:s7+$0x200] =	vst v0  }
0x1f: {  	[tilespmem:s7+$0x190] =	vst v0  }
0x20: {  	[tilespmem:s7+$0x1A0] =	vst v0  }
.Ltmp0:
0x21: {  	[tilespmem:s7+$0x1B0] =	vst v0;
	(pc) =	sbr.rel @p0 .LBB2_2-.Ltmp0, $4  }
0x22: {  	[tilespmem:s7+$0x1C0] =	vst v0  }
0x23: {  	[tilespmem:s7+$0x1D0] =	vst v0  }
0x24: {  	[tilespmem:s7+$0x1E0] =	vst v0  }
0x25: {  	[tilespmem:s7+$0x1F0] =	vst v0;
	s7 =	sshra.s32 s8, $0x2;
	s8 =	sadd.s32 $0x200, s8  }
0x26: {  	[tilespmem:s7+$0x200] =	vst v0  }
0x27: {  	[tilespmem:s7+$0x190] =	vst v0  }
0x28: {  	[tilespmem:s7+$0x1A0] =	vst v0  }
0x29: {  	[tilespmem:s7+$0x1B0] =	vst v0  }
0x2a: {  	[tilespmem:s7+$0x1C0] =	vst v0  }
0x2b: {  	[tilespmem:s7+$0x1D0] =	vst v0  }
0x2c: {  	[tilespmem:s7+$0x1E0] =	vst v0  }
0x2d: {  	[tilespmem:s7+$0x1F0] =	vst v0  }
0x2e: {  	[spmem:s6] =	stream.linear.scatter [tilespmem:s20], [sflag:$0x5], $0x2800, $0x38;
	[tilespmem:$0x1E200] =	vst v63  }
0x2f: {  	_ =	swait.ge [sflag:s21], $0x2800  }
0x30: {  	[sflag:s21] =	ssyncset.done $0x0  }
0x31: {  	s16 =	rddreg [dreg:$0x8];
	[sflag:s21] =	ssyncadd.s32 $0xFFFFD800  }
0x32: {  	[spmem:s16] =	stream.linear.scatter [tilespmem:s20], [sflag:$0x5], $0x2800, $0x38;
	[tilespmem:$0x1E200] =	vst v63  }
0x33: {  	_ =	swait.ge [sflag:s21], $0x2800  }
0x34: {  	[sflag:s21] =	ssyncset.done $0x0  }
0x35: {  	s17 =	rddreg [dreg:$0x9];
	[sflag:s21] =	ssyncadd.s32 $0xFFFFD800  }
0x36: {  	[spmem:s17] =	stream.linear.scatter [tilespmem:s20], [sflag:$0x5], $0x2800, $0x38;
	[tilespmem:$0x1E200] =	vst v63  }
0x37: {  	_ =	swait.ge [sflag:s21], $0x2800  }
0x38: {  	[sflag:s21] =	ssyncset.done $0x0  }
0x39: {  	s8 =	rddreg [dreg:$0xa];
	[sflag:s21] =	ssyncadd.s32 $0xFFFFD800  }
0x3a: {  	[spmem:s8] =	stream.linear.scatter [tilespmem:s20], [sflag:$0x5], $0x2800, $0x38;
	[tilespmem:$0x1E200] =	vst v63  }
0x3b: {  	_ =	swait.ge [sflag:s21], $0x2800  }
0x3c: {  	[sflag:s21] =	ssyncset.done $0x0  }
0x3d: {  	s9 =	rddreg [dreg:$0xb];
	[sflag:s21] =	ssyncadd.s32 $0xFFFFD800  }
0x3e: {  	[spmem:s9] =	stream.linear.scatter [tilespmem:s20], [sflag:$0x5], $0x2800, $0x38;
	[tilespmem:$0x1E200] =	vst v63  }
0x3f: {  	_ =	swait.ge [sflag:s21], $0x2800  }
0x40: {  	[sflag:s21] =	ssyncset.done $0x0  }
0x41: {  	s12 =	rddreg [dreg:$0xc];
	[sflag:s21] =	ssyncadd.s32 $0xFFFFD800  }
0x42: {  	[spmem:s12] =	stream.linear.scatter [tilespmem:s20], [sflag:$0x5], $0x2800, $0x38;
	[tilespmem:$0x1E200] =	vst v63  }
0x43: {  	_ =	swait.ge [sflag:s21], $0x2800  }
0x44: {  	[sflag:s21] =	ssyncset.done $0x0  }
0x45: {  	s13 =	rddreg [dreg:$0xd];
	[sflag:s21] =	ssyncadd.s32 $0xFFFFD800  }
0x46: {  	[spmem:s13] =	stream.linear.scatter [tilespmem:s20], [sflag:$0x5], $0x2800, $0x38;
	[tilespmem:$0x1E200] =	vst v63  }
0x47: {  	_ =	swait.ge [sflag:s21], $0x2800  }
0x48: {  	[sflag:s21] =	ssyncset.done $0x0  }
0x49: {  	[sflag:s21] =	ssyncadd.s32 $0xFFFFD800  }
0x4a: {  	[spmem:s14] =	stream.linear.scatter [tilespmem:s20], [sflag:$0x5], $0x2800, $0x38;
	[tilespmem:$0x1E200] =	vst v63  }
0x4b: {  	_ =	swait.ge [sflag:s21], $0x2800  }
0x4c: {  	[sflag:s21] =	ssyncset.done $0x0  }
0x4d: {  	[sflag:s21] =	ssyncadd.s32 $0xFFFFD800  }
0x4e: {  	[bflag:$0x0] =	sbarrier.arrive $0xFFFF  }
0x4f: {  	[tilespmem:s3], [sflag:$0x1] =	stream.linear.gather [hbm4b:s19+s3], $0x50, $0x38;
	[tilespmem:$0x1E200] =	vst v63  }
0x50: {  	_ = 	snop  }
0x51: {  	[tilespmem:s22], [sflag:$0x2] =	stream.linear.gather [hbm4b:s18+s3], $0x50, $0x38;
	[tilespmem:$0x1E200] =	vst v63  }
0x52: {  	_ = 	snop  }
0x53: {  	[tilespmem:s23], [sflag:$0x3] =	stream.linear.gather [hbm4b:s11+s3], $0x50, $0x38;
	[tilespmem:$0x1E200] =	vst v63  }
0x54: {  	_ = 	snop  }
0x55: {  	[tilespmem:s25], [sflag:$0x4] =	stream.linear.gather [hbm4b:s10+s3], $0x50, $0x38;
	[tilespmem:$0x1E200] =	vst v63  }
0x56: {  	s16 =	sadd.s32 $0x0, s15  }
0x57: {  	[tilespmem:s20], [sflag:$0x1] =	stream.linear.gather [hbm4b:s16+s3], $0x2800, $0x38;
	[tilespmem:$0x1E200] =	vst v63  }
0x58: {  	s8 =	sadd.s32 $0x500, s16  }
0x59: {  	[tilespmem:s26], [sflag:$0x2] =	stream.linear.gather [hbm4b:s8+s3], $0x2800, $0x38;
	[tilespmem:$0x1E200] =	vst v63  }
0x5a: {  	s17 =	sadd.s32 $0xA00, s16  }
0x5b: {  	[tilespmem:s28], [sflag:$0x3] =	stream.linear.gather [hbm4b:s17+s3], $0x2800, $0x38;
	[tilespmem:$0x1E200] =	vst v63  }
0x5c: {  	s7 =	sadd.s32 $0xF00, s16  }
0x5d: {  	[tilespmem:s29], [sflag:$0x4] =	stream.linear.gather [hbm4b:s7+s3], $0x2800, $0x38;
	[tilespmem:$0x1E200] =	vst v63  }
0x5e: {  	_ =	swait.ge [sflag:s30], $0x50  }
0x5f: {  	[sflag:s30] =	ssyncset.done $0x0  }
0x60: {  	[sflag:s30] =	ssyncadd.s32 $0xFFFFFFB0  }
0x61: {  	_ =	swait.ge [sflag:s30], $0x2800  }
0x62: {  	[sflag:s30] =	ssyncset.done $0x0  }
0x63: {  	[sflag:s30] =	ssyncadd.s32 $0xFFFFD800  }
0x64: {  	[spmem:s2] =	stream.indirect.scatter.add.f32 [tilespmem:s20], [sflag:$0x1], $0x80, s3, s31, $0xb8;
	[tilespmem:$0x1E200] =	vst v63  }
0x65: {  	_ =	swait.ge [sflag:s1], $0x50  }
0x66: {  	[sflag:s1] =	ssyncset.done $0x0  }
0x67: {  	[sflag:s1] =	ssyncadd.s32 $0xFFFFFFB0  }
0x68: {  	_ =	swait.ge [sflag:s1], $0x2800  }
0x69: {  	[sflag:s1] =	ssyncset.done $0x0  }
0x6a: {  	[sflag:s1] =	ssyncadd.s32 $0xFFFFD800  }
0x6b: {  	[spmem:s2] =	stream.indirect.scatter.add.f32 [tilespmem:s26], [sflag:$0x2], $0x80, s22, s31, $0xb8;
	[tilespmem:$0x1E200] =	vst v63  }
0x6c: {  	_ =	swait.ge [sflag:s0], $0x50  }
0x6d: {  	[sflag:s0] =	ssyncset.done $0x0  }
0x6e: {  	[sflag:s0] =	ssyncadd.s32 $0xFFFFFFB0  }
0x6f: {  	_ =	swait.ge [sflag:s0], $0x2800  }
0x70: {  	[sflag:s0] =	ssyncset.done $0x0  }
0x71: {  	[sflag:s0] =	ssyncadd.s32 $0xFFFFD800  }
0x72: {  	[spmem:s2] =	stream.indirect.scatter.add.f32 [tilespmem:s28], [sflag:$0x3], $0x80, s23, s31, $0xb8;
	[tilespmem:$0x1E200] =	vst v63  }
0x73: {  	_ =	swait.ge [sflag:s4], $0x50  }
0x74: {  	[sflag:s4] =	ssyncset.done $0x0  }
0x75: {  	[sflag:s4] =	ssyncadd.s32 $0xFFFFFFB0  }
0x76: {  	_ =	swait.ge [sflag:s4], $0x2800  }
0x77: {  	[sflag:s4] =	ssyncset.done $0x0  }
0x78: {  	[sflag:s4] =	ssyncadd.s32 $0xFFFFD800  }
0x79: {  	[spmem:s2] =	stream.indirect.scatter.add.f32 [tilespmem:s29], [sflag:$0x4], $0x80, s25, s31, $0xb8;
	[tilespmem:$0x1E200] =	vst v63  }
0x7a: {  	_ =	swait.ge [sflag:s30], $0x2800  }
0x7b: {  	[sflag:s30] =	ssyncset.done $0x0  }
0x7c: {  	[sflag:s30] =	ssyncadd.s32 $0xFFFFD800  }
0x7d: {  	_ =	swait.ge [sflag:s1], $0x2800  }
0x7e: {  	[sflag:s1] =	ssyncset.done $0x0  }
0x7f: {  	[sflag:s1] =	ssyncadd.s32 $0xFFFFD800  }
0x80: {  	_ =	swait.ge [sflag:s0], $0x2800  }
0x81: {  	[sflag:s0] =	ssyncset.done $0x0  }
0x82: {  	s9 =	sadd.s32 $0x28, s19;
	[sflag:s0] =	ssyncadd.s32 $0xFFFFD800  }
0x83: {  	s16 =	smov.u32 s10;
	s8 =	sadd.s32 $0x28, s18;
	_ =	swait.ge [sflag:s4], $0x2800  }
0x84: {  	s17 =	smov.u32 s11;
	s7 =	simm.s32 $0x1400;
	[sflag:s4] =	ssyncset.done $0x0  }
.LBB2_4:
0x85: {  	[sflag:s4] =	ssyncadd.s32 $0xFFFFD800;
	s16 =	sadd.s32 $0x28, s16;
	s17 =	sadd.s32 $0x28, s17  }
0x86: {  	[tilespmem:s3], [sflag:$0x1] =	stream.linear.gather [hbm4b:s9+s3], $0x50, $0x38;
	[tilespmem:$0x1E200] =	vst v63  }
0x87: {  	p0 =	sne.s32 s7, $0x25800;
	s12 =	smov.u32 s7;
	s7 =	sadd.s32 $0x1400, s7  }
0x88: {  	[tilespmem:s22], [sflag:$0x2] =	stream.linear.gather [hbm4b:s8+s3], $0x50, $0x38;
	[tilespmem:$0x1E200] =	vst v63  }
0x89: {  	_ = 	snop  }
0x8a: {  	[tilespmem:s23], [sflag:$0x3] =	stream.linear.gather [hbm4b:s17+s3], $0x50, $0x38;
	[tilespmem:$0x1E200] =	vst v63  }
0x8b: {  	_ = 	snop  }
0x8c: {  	[tilespmem:s25], [sflag:$0x4] =	stream.linear.gather [hbm4b:s16+s3], $0x50, $0x38;
	[tilespmem:$0x1E200] =	vst v63  }
0x8d: {  	s12 =	sadd.s32 s12, s15  }
0x8e: {  	[tilespmem:s20], [sflag:$0x1] =	stream.linear.gather [hbm4b:s12+s3], $0x2800, $0x38;
	[tilespmem:$0x1E200] =	vst v63  }
0x8f: {  	s13 =	sadd.s32 $0x500, s12  }
0x90: {  	[tilespmem:s26], [sflag:$0x2] =	stream.linear.gather [hbm4b:s13+s3], $0x2800, $0x38;
	[tilespmem:$0x1E200] =	vst v63  }
0x91: {  	s13 =	sadd.s32 $0xA00, s12  }
0x92: {  	[tilespmem:s28], [sflag:$0x3] =	stream.linear.gather [hbm4b:s13+s3], $0x2800, $0x38;
	[tilespmem:$0x1E200] =	vst v63  }
0x93: {  	s12 =	sadd.s32 $0xF00, s12  }
0x94: {  	[tilespmem:s29], [sflag:$0x4] =	stream.linear.gather [hbm4b:s12+s3], $0x2800, $0x38;
	[tilespmem:$0x1E200] =	vst v63  }
0x95: {  	_ =	swait.ge [sflag:s30], $0x50  }
0x96: {  	[sflag:s30] =	ssyncset.done $0x0  }
0x97: {  	[sflag:s30] =	ssyncadd.s32 $0xFFFFFFB0  }
0x98: {  	_ =	swait.ge [sflag:s30], $0x2800  }
0x99: {  	[sflag:s30] =	ssyncset.done $0x0  }
0x9a: {  	[sflag:s30] =	ssyncadd.s32 $0xFFFFD800  }
0x9b: {  	[spmem:s2] =	stream.indirect.scatter.add.f32 [tilespmem:s20], [sflag:$0x1], $0x80, s3, s31, $0xb8;
	[tilespmem:$0x1E200] =	vst v63  }
0x9c: {  	_ =	swait.ge [sflag:s1], $0x50  }
0x9d: {  	[sflag:s1] =	ssyncset.done $0x0  }
0x9e: {  	[sflag:s1] =	ssyncadd.s32 $0xFFFFFFB0  }
0x9f: {  	_ =	swait.ge [sflag:s1], $0x2800  }
0xa0: {  	[sflag:s1] =	ssyncset.done $0x0  }
0xa1: {  	[sflag:s1] =	ssyncadd.s32 $0xFFFFD800  }
0xa2: {  	[spmem:s2] =	stream.indirect.scatter.add.f32 [tilespmem:s26], [sflag:$0x2], $0x80, s22, s31, $0xb8;
	[tilespmem:$0x1E200] =	vst v63  }
0xa3: {  	_ =	swait.ge [sflag:s0], $0x50  }
0xa4: {  	[sflag:s0] =	ssyncset.done $0x0  }
0xa5: {  	[sflag:s0] =	ssyncadd.s32 $0xFFFFFFB0  }
0xa6: {  	_ =	swait.ge [sflag:s0], $0x2800  }
0xa7: {  	[sflag:s0] =	ssyncset.done $0x0  }
0xa8: {  	[sflag:s0] =	ssyncadd.s32 $0xFFFFD800  }
0xa9: {  	[spmem:s2] =	stream.indirect.scatter.add.f32 [tilespmem:s28], [sflag:$0x3], $0x80, s23, s31, $0xb8;
	[tilespmem:$0x1E200] =	vst v63  }
0xaa: {  	_ =	swait.ge [sflag:s4], $0x50  }
0xab: {  	[sflag:s4] =	ssyncset.done $0x0  }
0xac: {  	[sflag:s4] =	ssyncadd.s32 $0xFFFFFFB0  }
0xad: {  	_ =	swait.ge [sflag:s4], $0x2800  }
0xae: {  	[sflag:s4] =	ssyncset.done $0x0  }
0xaf: {  	[sflag:s4] =	ssyncadd.s32 $0xFFFFD800  }
0xb0: {  	[spmem:s2] =	stream.indirect.scatter.add.f32 [tilespmem:s29], [sflag:$0x4], $0x80, s25, s31, $0xb8;
	[tilespmem:$0x1E200] =	vst v63  }
0xb1: {  	_ =	swait.ge [sflag:s30], $0x2800  }
0xb2: {  	[sflag:s30] =	ssyncset.done $0x0  }
0xb3: {  	[sflag:s30] =	ssyncadd.s32 $0xFFFFD800  }
0xb4: {  	_ =	swait.ge [sflag:s1], $0x2800  }
0xb5: {  	[sflag:s1] =	ssyncset.done $0x0  }
0xb6: {  	[sflag:s1] =	ssyncadd.s32 $0xFFFFD800  }
.Ltmp1:
0xb7: {  	_ =	swait.ge [sflag:s0], $0x2800;
	(pc) =	sbr.rel @p0 .LBB2_4-.Ltmp1, $4  }
0xb8: {  	[sflag:s0] =	ssyncset.done $0x0  }
0xb9: {  	[sflag:s0] =	ssyncadd.s32 $0xFFFFD800  }
0xba: {  	_ =	swait.ge [sflag:s4], $0x2800  }
0xbb: {  	s9 =	sadd.s32 $0x28, s9;
	s8 =	sadd.s32 $0x28, s8;
	[sflag:s4] =	ssyncset.done $0x0  }
0xbc: {  	[sflag:s4] =	ssyncadd.s32 $0xFFFFD800;
	s7 =	rddreg [dreg:$0x5]  }
0xbd: {  	[tilespmem:s3], [sflag:$0x5] =	stream.linear.gather [hbm4b:s7+s3], $0x50, $0x38;
	[tilespmem:$0x1E200] =	vst v63  }
0xbe: {  	_ =	swait.ge [sflag:s21], $0x50  }
0xbf: {  	[sflag:s21] =	ssyncset.done $0x0  }
0xc0: {  	s13 =	rddreg [dreg:$0x6];
	[sflag:s21] =	ssyncadd.s32 $0xFFFFFFB0  }
0xc1: {  	[tilespmem:s20], [sflag:$0x5] =	stream.linear.gather [hbm4b:s13+s3], $0x2800, $0x38;
	[tilespmem:$0x1E200] =	vst v63  }
0xc2: {  	_ =	swait.ge [sflag:s21], $0x2800  }
0xc3: {  	[sflag:s21] =	ssyncset.done $0x0  }
0xc4: {  	[sflag:s21] =	ssyncadd.s32 $0xFFFFD800  }
0xc5: {  	[spmem:s2] =	stream.indirect.scatter.add.f32 [tilespmem:s20], [sflag:$0x5], $0x80, s3, s31, $0xb8;
	[tilespmem:$0x1E200] =	vst v63  }
0xc6: {  	_ =	swait.ge [sflag:s21], $0x2800  }
0xc7: {  	s16 =	stileid.u32;
	[sflag:s21] =	ssyncset.done $0x0  }
0xc8: {  	s7 =	sshll.u32 s16, $0x6;
	[sflag:s21] =	ssyncadd.s32 $0xFFFFD800  }
0xc9: {  	s8 =	sshrl.u32 s6, $0x3;
	s7 =	sor.u32 $0x1C05, s7;
	[bflag:$0x0] =	sbarrier.arrive $0xFFFF  }
0xca: {  	[hbm:s24], [sflag:s7] =	dma.local [spmem:s8], $0x2800  }
0xcb: {  	_ =	swait.ge [sflag:s21], $0x2800  }
0xcc: {  	s5 =	sadd.s32 $0x1, s5;
	s17 =	rddreg [dreg:$0x7]  }
0xcd: {  	p0 =	sne.s32 s5, s17  }
.Ltmp2:
0xce: {  	_ = 	snop;
	(pc) =	sbr.rel @p0 .LBB2_1-.Ltmp2, $3  }
0xcf: {  	_ =	sdelay $0x1  }
0xd0: {  	[sflag:s21] =	ssyncset.done $0x0  }
0xd1: {  	[sflag:s21] =	ssyncadd.s32 $0xFFFFD800  }
0xd2: {  	_ =	sfence.sel $0x180000  }
0xd3: {  	[bflag:$0x0] =	sbarrier.arrive $0xFFFF  }
0xd4: {  	_ =	strace $0x90000047  }
0xd5: {  	s0 =	stileid.u32;
	[bflag:$0x2] =	sbarrier.arrive $0xFFFF  }
0xd6: {  	p0 =	sne.s32 s0, $0x0;
	s0 =	rddreg [dreg:$0x4]  }
0xd7: {  	s0 =	sadd.s32 @!p0 $0x100000, s0  }
0xd8: {  	[sflag:s0] =	ssyncadd.tile.s32 @!p0 $0x1;
	_ =	shalt  }
.Lfunc_end2:
_tile_overlayer_lowered:
.L_overlay_start_2:
0xd9: {  	(tag) =	ssettag $0x2  }
0xda: {  	s0 =	rddreg [dreg:$0x0];
	s2 =	stileid.u32  }
0xdb: {  	s1 =	rddreg [dreg:$0x1];
	p0 =	sne.s32 s2, $0x0  }
0xdc: {  	s3 =	rddreg [dreg:$0x2];
	[bflag:$0x3] =	sbarrier.arrive $0xFFFF;
	s2 =	simm.s32 @!p0 $0x1C05  }
0xdd: {  	[timem:s3], [sflag:s2] =	dma.local @!p0 [hbm:s0], s1  }
0xde: {  	s0 =	simm.s32 @!p0 $0x5  }
0xdf: {  	_ =	swait.ge @!p0 [sflag:s0], s1  }
0xe0: {  	s1 =	ssub.s32 @!p0 $0x0, s1;
	[sflag:s0] =	ssyncset.done @!p0 $0x0  }
0xe1: {  	[sflag:s0] =	ssyncadd.s32 @!p0 s1  }
0xe2: {  	[bflag:$0x3] =	sbarrier.arrive $0xFFFF  }
0xe3: {  	_ =	shalt  }

</sc_bundles>
